<compile_context>
chip_gen: v7x
topology: tpu7x:2x2x1
jax: 0.10.2.dev20260603
libtpu: 0.0.44.dev20260713+nightly
codegen_flags: <defaults>
</compile_context>

<pallas_src>
import functools

import jax
import jax.numpy as jnp
from jax import lax
from jax.experimental import pallas as pl
from jax.experimental.pallas import tpu as pltpu
from jax.experimental.pallas import tpu_sc as plsc

NC = 2
NS = 16
L = 16
NW = NC * NS


NBUF = 4


@functools.lru_cache(maxsize=None)
def _make_pool(B, H, D):
    assert B % NW == 0 and D % L == 0
    b_per_w = B // NW
    assert b_per_w % NBUF == 0
    mesh = plsc.VectorSubcoreMesh(core_axis_name="c", subcore_axis_name="s")

    @functools.partial(
        pl.kernel,
        out_type=jax.ShapeDtypeStruct((B, D), jnp.float32),
        mesh=mesh,
        scratch_types=[
            pltpu.VMEM((b_per_w * H,), jnp.int32),
            [pltpu.VMEM((H, D), jnp.float32) for _ in range(NBUF)],
            pltpu.VMEM((b_per_w, D), jnp.float32),
            [pltpu.SemaphoreType.DMA for _ in range(NBUF)],
        ],
        compiler_params=pltpu.CompilerParams(use_tc_tiling_on_sc=False),
    )
    def pool(x_hbm, table_hbm, out_hbm, idx_v, rows, pooled_v, sems):
        wid = lax.axis_index("s") * NC + lax.axis_index("c")
        base = wid * b_per_w
        pltpu.sync_copy(x_hbm.at[pl.ds(base * H, b_per_w * H)], idx_v)

        def gather(i, k):
            return pltpu.async_copy(
                table_hbm.at[idx_v.at[pl.ds(i * H, H)]], rows[k], sems[k]
            )

        def accumulate(i, k):
            buf = rows[k]

            def body(r, accs):
                return tuple(
                    a + buf[r, pl.ds(j * L, L)] for j, a in enumerate(accs)
                )

            accs = tuple(jnp.zeros((L,), jnp.float32) for _ in range(D // L))
            accs = lax.fori_loop(0, H, body, accs, unroll=4)
            for j, a in enumerate(accs):
                pooled_v[i, pl.ds(j * L, L)] = a

        for k in range(NBUF - 1):
            gather(k, k)

        @pl.loop(0, b_per_w, step=NBUF)
        def _group(i):
            for k in range(NBUF):
                nxt = i + k + NBUF - 1

                @pl.when(nxt < b_per_w)
                def _():
                    gather(nxt, (k + NBUF - 1) % NBUF)

                pltpu.make_async_copy(
                    table_hbm.at[idx_v.at[pl.ds((i + k) * H, H)]],
                    rows[k],
                    sems[k],
                ).wait()
                accumulate(i + k, k)

        pltpu.sync_copy(pooled_v, out_hbm.at[pl.ds(base, b_per_w)])

    return pool


XPOSE_CB = 16384


@functools.lru_cache(maxsize=None)
def _make_xpose(V, D, CB=XPOSE_CB):
    assert 2 * D == 128
    CB2 = CB // 2
    nblk = pl.cdiv(V, CB)

    def xpose(t_ref, out_ref):
        out_ref[...] = jnp.concatenate(
            [t_ref[:, 0:CB2], t_ref[:, CB2:CB]], axis=0
        ).T

    return pl.pallas_call(
        xpose,
        grid=(nblk,),
        in_specs=[pl.BlockSpec((D, CB), lambda i: (0, i))],
        out_specs=pl.BlockSpec((CB2, 128), lambda i: (i, 0)),
        out_shape=jax.ShapeDtypeStruct((nblk * CB2, 128), jnp.float32),
    )


def _permute_idx(x, CB=XPOSE_CB):
    CB2 = CB // 2
    blk = x // CB
    r = x - blk * CB
    half = r // CB2
    p = r - half * CB2
    return blk * CB + 2 * p + half


@functools.lru_cache(maxsize=None)
def _make_head(B, D, O, BB=256):
    assert B % BB == 0

    def head(s_ref, w_ref, b_ref, out_ref):
        logits = (
            jnp.dot(w_ref[...], s_ref[...].T, preferred_element_type=jnp.float32)
            + b_ref[...]
        )
        m = jnp.max(logits, axis=0, keepdims=True)
        e = jnp.exp(logits - m)
        out_ref[...] = e / jnp.sum(e, axis=0, keepdims=True)

    return pl.pallas_call(
        head,
        grid=(B // BB,),
        in_specs=[
            pl.BlockSpec((BB, D), lambda i: (i, 0)),
            pl.BlockSpec((O, D), lambda i: (0, 0)),
            pl.BlockSpec((O, 1), lambda i: (0, 0)),
        ],
        out_specs=pl.BlockSpec((O, BB), lambda i: (0, i)),
        out_shape=jax.ShapeDtypeStruct((O, B), jnp.float32),
    )


def kernel(x, table, W, b):
    B, H = x.shape
    V, D = table.shape
    O = W.shape[0]
    x_flat = _permute_idx(x.reshape(B * H).astype(jnp.int32))
    scratch = _make_xpose(V, D)(table.T)
    Vp = scratch.shape[0] * scratch.shape[1] // D
    t_lin = scratch.reshape(Vp, D)
    pooled = _make_pool(B, H, D)(x_flat, t_lin)
    return _make_head(B, D, O)(pooled, W, b.reshape(O, 1)).T

# --- scband reference (transcript-rebuilt; emitter-appended) ---
"""Pipeline reference for scband-embedding-classifier-52845277610449 (READ-ONLY COPY).

The authoritative reference and input builder live on the scoring server;
editing this copy changes nothing except your own understanding.
"""

import jax, jax.numpy as jnp
import numpy as np

VOCAB = 1000000
EMBED = 64
BATCH = 4096
HIST = 200
OUT = 1000


def setup_inputs(seed: int = 0) -> dict:
    key = jax.random.key(seed)
    k1, k2, k3 = jax.random.split(key, 3)
    x = jax.random.randint(k1, (BATCH, HIST), 0, VOCAB, dtype=jnp.int64 if jax.config.jax_enable_x64 else jnp.int32)
    table = jax.random.normal(k2, (VOCAB, EMBED), dtype=jnp.float32) * 0.02
    W = jax.random.normal(k3, (OUT, EMBED), dtype=jnp.float32) * 0.02
    b = jnp.zeros((OUT,), dtype=jnp.float32)
    return {"x": x, "table": table, "W": W, "b": b}


def reference(x, table, W, b):
    # nn.Embedding lookup (frozen pretrained table)
    emb = jnp.take(table, x, axis=0)          # [B, L, D]
    # sum over sequence dim
    s = jnp.sum(emb, axis=1)                   # [B, D]
    # Linear: s @ W.T + b
    logits = s @ W.T + b                       # [B, OUT]
    # softmax over last dim
    return jax.nn.softmax(logits, axis=-1)

if __name__ == "__main__":
    import jax
    _d = setup_inputs()
    print(jax.jit(kernel)(*tuple(_d.values())))

</pallas_src>

<mosaic_0001>
#map = affine_map<(d0, d1) -> (0)>
#map1 = affine_map<(d0, d1) -> (0, 0)>
module attributes {stable_mosaic.version = 14 : i64} {
  func.func @pool(%arg0: i32, %arg1: i32, %arg2: memref<819200xi32, #tpu.memory_space<hbm>>, %arg3: memref<1015808x64xf32, #tpu.memory_space<hbm>>, %arg4: memref<4096x64xf32, #tpu.memory_space<hbm>>, %arg5: memref<25600xi32, #tpu.memory_space<vmem>>, %arg6: memref<200x64xf32, #tpu.memory_space<vmem>>, %arg7: memref<200x64xf32, #tpu.memory_space<vmem>>, %arg8: memref<200x64xf32, #tpu.memory_space<vmem>>, %arg9: memref<200x64xf32, #tpu.memory_space<vmem>>, %arg10: memref<128x64xf32, #tpu.memory_space<vmem>>, %arg11: memref<!tpu.dma_semaphore, #tpu.memory_space<semaphore_mem>>, %arg12: memref<!tpu.dma_semaphore, #tpu.memory_space<semaphore_mem>>, %arg13: memref<!tpu.dma_semaphore, #tpu.memory_space<semaphore_mem>>, %arg14: memref<!tpu.dma_semaphore, #tpu.memory_space<semaphore_mem>>) attributes {dimension_semantics = [#tpu.dimension_semantics<core_parallel>, #tpu.dimension_semantics<subcore_parallel>], iteration_bounds = array<i64: 2, 16>, scalar_prefetch = 0 : i64, scratch_operands = 10 : i64, tpu.core_type = #tpu.core_type<sc_vector_subcore>, window_params = [{transform_indices = #map}, {transform_indices = #map1}, {transform_indices = #map1}]} {
    %mul3A = arith.constant 2 : i32
    %mul3A_0 = arith.muli %arg1, %mul3A : i32
    %add3A = arith.addi %mul3A_0, %arg0 : i32
    %mul3A_1 = arith.constant 128 : i32
    %mul3A_2 = arith.muli %add3A, %mul3A_1 : i32
    %mul3A_3 = arith.constant 200 : i32
    %mul3A_4 = arith.muli %mul3A_2, %mul3A_3 : i32
    "tpu.region"() ({
      %run_scoped3A = tpu.sem_alloc : memref<!tpu.dma_semaphore, #tpu.memory_space<semaphore_mem>>
      %dma_start3A_23 = tpu.memref_slice %arg2[%mul3A_4] : memref<819200xi32, #tpu.memory_space<hbm>> -> memref<25600xi32, #tpu.memory_space<hbm>>
      %dma_start3A_24 = tpu.memref_slice %arg2[%mul3A_4] : memref<819200xi32, #tpu.memory_space<hbm>> -> memref<25600xi32, #tpu.memory_space<hbm>>
      tpu.enqueue_dma source(%dma_start3A_24 : memref<25600xi32, #tpu.memory_space<hbm>>) target(%arg5 : memref<25600xi32, #tpu.memory_space<vmem>>) target_semaphore(%run_scoped3A : memref<!tpu.dma_semaphore, #tpu.memory_space<semaphore_mem>>)
      %dma_wait3A = tpu.memref_slice %arg2[%mul3A_4] : memref<819200xi32, #tpu.memory_space<hbm>> -> memref<25600xi32, #tpu.memory_space<hbm>>
      %dma_wait3A_25 = tpu.memref_slice %arg2[%mul3A_4] : memref<819200xi32, #tpu.memory_space<hbm>> -> memref<25600xi32, #tpu.memory_space<hbm>>
      tpu.wait_dma2 semaphore(%run_scoped3A : memref<!tpu.dma_semaphore, #tpu.memory_space<semaphore_mem>>) src(%dma_wait3A_25 : memref<25600xi32, #tpu.memory_space<hbm>>) dst(%arg5 : memref<25600xi32, #tpu.memory_space<vmem>>)
      tpu.yield
    }) : () -> ()
    %dma_start3A = arith.constant 0 : i32
    %dma_start3A_5 = tpu.memref_slice %arg5[%dma_start3A] : memref<25600xi32, #tpu.memory_space<vmem>> -> memref<200xi32, #tpu.memory_space<vmem>>
    %dma_start3A_6 = arith.constant 0 : i32
    %dma_start3A_7 = arith.constant 0 : i32
    %dma_start3A_8 = tpu.memref_slice %arg3[%dma_start3A_6, %dma_start3A_7] : memref<1015808x64xf32, #tpu.memory_space<hbm>> -> memref<1015808x64xf32, #tpu.memory_space<hbm>>
    tpu.enqueue_indirect_dma source(%dma_start3A_8 : memref<1015808x64xf32, #tpu.memory_space<hbm>>) target(%arg6 : memref<200x64xf32, #tpu.memory_space<vmem>>) offsets(%dma_start3A_5 : memref<200xi32, #tpu.memory_space<vmem>>) semaphore(%arg11 : memref<!tpu.dma_semaphore, #tpu.memory_space<semaphore_mem>>)
    %dma_start3A_9 = arith.constant 200 : i32
    %dma_start3A_10 = tpu.memref_slice %arg5[%dma_start3A_9] : memref<25600xi32, #tpu.memory_space<vmem>> -> memref<200xi32, #tpu.memory_space<vmem>>
    %dma_start3A_11 = arith.constant 0 : i32
    %dma_start3A_12 = arith.constant 0 : i32
    %dma_start3A_13 = tpu.memref_slice %arg3[%dma_start3A_11, %dma_start3A_12] : memref<1015808x64xf32, #tpu.memory_space<hbm>> -> memref<1015808x64xf32, #tpu.memory_space<hbm>>
    tpu.enqueue_indirect_dma source(%dma_start3A_13 : memref<1015808x64xf32, #tpu.memory_space<hbm>>) target(%arg7 : memref<200x64xf32, #tpu.memory_space<vmem>>) offsets(%dma_start3A_10 : memref<200xi32, #tpu.memory_space<vmem>>) semaphore(%arg12 : memref<!tpu.dma_semaphore, #tpu.memory_space<semaphore_mem>>)
    %dma_start3A_14 = arith.constant 400 : i32
    %dma_start3A_15 = tpu.memref_slice %arg5[%dma_start3A_14] : memref<25600xi32, #tpu.memory_space<vmem>> -> memref<200xi32, #tpu.memory_space<vmem>>
    %dma_start3A_16 = arith.constant 0 : i32
    %dma_start3A_17 = arith.constant 0 : i32
    %dma_start3A_18 = tpu.memref_slice %arg3[%dma_start3A_16, %dma_start3A_17] : memref<1015808x64xf32, #tpu.memory_space<hbm>> -> memref<1015808x64xf32, #tpu.memory_space<hbm>>
    tpu.enqueue_indirect_dma source(%dma_start3A_18 : memref<1015808x64xf32, #tpu.memory_space<hbm>>) target(%arg8 : memref<200x64xf32, #tpu.memory_space<vmem>>) offsets(%dma_start3A_15 : memref<200xi32, #tpu.memory_space<vmem>>) semaphore(%arg13 : memref<!tpu.dma_semaphore, #tpu.memory_space<semaphore_mem>>)
    %scan3A = arith.constant 0 : i32
    %scan3A_19 = arith.constant 32 : i32
    %scan3A_20 = arith.addi %scan3A, %scan3A_19 : i32
    %scan3A_21 = arith.constant 1 : i32
    scf.for %scan3A_23 = %scan3A to %scan3A_20 step %scan3A_21  : i32 {
      %mul3A_24 = arith.constant 4 : i32
      %mul3A_25 = arith.muli %scan3A_23, %mul3A_24 : i32
      %add3A_26 = arith.constant 0 : i32
      %add3A_27 = arith.addi %add3A_26, %mul3A_25 : i32
      %add3A_28 = arith.constant 0 : i32
      %add3A_29 = arith.addi %add3A_27, %add3A_28 : i32
      %add3A_30 = arith.constant 4 : i32
      %add3A_31 = arith.addi %add3A_29, %add3A_30 : i32
      %sub3A = arith.constant 1 : i32
      %sub3A_32 = arith.subi %add3A_31, %sub3A : i32
      %lt3A = arith.constant 128 : i32
      %lt3A_33 = arith.cmpi slt, %sub3A_32, %lt3A : i32
      %convert_element_type3A = arith.extui %lt3A_33 : i1 to i32
      %cond3A = arith.constant 0 : i32
      %cond3A_34 = arith.cmpi ne, %convert_element_type3A, %cond3A : i32
      scf.if %cond3A_34 {
        %mul3A_241 = arith.constant 200 : i32
        %mul3A_242 = arith.muli %sub3A_32, %mul3A_241 : i32
        %dma_start3A_243 = tpu.memref_slice %arg5[%mul3A_242] : memref<25600xi32, #tpu.memory_space<vmem>> -> memref<200xi32, #tpu.memory_space<vmem>>
        %dma_start3A_244 = arith.constant 0 : i32
        %dma_start3A_245 = arith.constant 0 : i32
        %dma_start3A_246 = tpu.memref_slice %arg3[%dma_start3A_244, %dma_start3A_245] : memref<1015808x64xf32, #tpu.memory_space<hbm>> -> memref<1015808x64xf32, #tpu.memory_space<hbm>>
        tpu.enqueue_indirect_dma source(%dma_start3A_246 : memref<1015808x64xf32, #tpu.memory_space<hbm>>) target(%arg9 : memref<200x64xf32, #tpu.memory_space<vmem>>) offsets(%dma_start3A_243 : memref<200xi32, #tpu.memory_space<vmem>>) semaphore(%arg14 : memref<!tpu.dma_semaphore, #tpu.memory_space<semaphore_mem>>)
      } else {
      }
      %add3A_35 = arith.constant 0 : i32
      %add3A_36 = arith.addi %add3A_27, %add3A_35 : i32
      %mul3A_37 = arith.constant 200 : i32
      %mul3A_38 = arith.muli %add3A_36, %mul3A_37 : i32
      %dma_wait3A = tpu.memref_slice %arg5[%mul3A_38] : memref<25600xi32, #tpu.memory_space<vmem>> -> memref<200xi32, #tpu.memory_space<vmem>>
      %dma_wait3A_39 = arith.constant 0 : i32
      %dma_wait3A_40 = arith.constant 0 : i32
      %dma_wait3A_41 = tpu.memref_slice %arg3[%dma_wait3A_39, %dma_wait3A_40] : memref<1015808x64xf32, #tpu.memory_space<hbm>> -> memref<1015808x64xf32, #tpu.memory_space<hbm>>
      tpu.wait_indirect_dma semaphore(%arg11 : memref<!tpu.dma_semaphore, #tpu.memory_space<semaphore_mem>>) src(%dma_wait3A_41 : memref<1015808x64xf32, #tpu.memory_space<hbm>>) dst(%arg6 : memref<200x64xf32, #tpu.memory_space<vmem>>)
      %add3A_42 = arith.constant 0 : i32
      %add3A_43 = arith.addi %add3A_27, %add3A_42 : i32
      %broadcast_in_dim3A = arith.constant 0.000000e+00 : f32
      %broadcast_in_dim3A_44 = vector.broadcast %broadcast_in_dim3A : f32 to vector<16xf32>
      %broadcast_in_dim3A_45 = arith.constant 0.000000e+00 : f32
      %broadcast_in_dim3A_46 = vector.broadcast %broadcast_in_dim3A_45 : f32 to vector<16xf32>
      %broadcast_in_dim3A_47 = arith.constant 0.000000e+00 : f32
      %broadcast_in_dim3A_48 = vector.broadcast %broadcast_in_dim3A_47 : f32 to vector<16xf32>
      %broadcast_in_dim3A_49 = arith.constant 0.000000e+00 : f32
      %broadcast_in_dim3A_50 = vector.broadcast %broadcast_in_dim3A_49 : f32 to vector<16xf32>
      %scan3A_51 = arith.constant 0 : i32
      %scan3A_52 = arith.constant 200 : i32
      %scan3A_53 = arith.addi %scan3A_51, %scan3A_52 : i32
      %scan3A_54 = arith.constant 4 : i32
      %scan3A_55:4 = scf.for %scan3A_241 = %scan3A_51 to %scan3A_53 step %scan3A_54 iter_args(%scan3A_242 = %broadcast_in_dim3A_44, %scan3A_243 = %broadcast_in_dim3A_46, %scan3A_244 = %broadcast_in_dim3A_48, %scan3A_245 = %broadcast_in_dim3A_50) -> (vector<16xf32>, vector<16xf32>, vector<16xf32>, vector<16xf32>)  : i32 {
        %get3A = arith.index_cast %scan3A_241 : i32 to index
        %get3A_246 = arith.constant 0 : index
        %get3A_247 = tpu.vector_load %arg6[%get3A, %get3A_246] {strides = array<i32>} : memref<200x64xf32, #tpu.memory_space<vmem>>, vector<1x16xf32>,
        %get3A_248 = vector.shape_cast %get3A_247 : vector<1x16xf32> to vector<16xf32>
        %add3A_249 = arith.addf %scan3A_242, %get3A_248 : vector<16xf32>
        %get3A_250 = arith.index_cast %scan3A_241 : i32 to index
        %get3A_251 = arith.constant 16 : index
        %get3A_252 = tpu.vector_load %arg6[%get3A_250, %get3A_251] {strides = array<i32>} : memref<200x64xf32, #tpu.memory_space<vmem>>, vector<1x16xf32>,
        %get3A_253 = vector.shape_cast %get3A_252 : vector<1x16xf32> to vector<16xf32>
        %add3A_254 = arith.addf %scan3A_243, %get3A_253 : vector<16xf32>
        %get3A_255 = arith.index_cast %scan3A_241 : i32 to index
        %get3A_256 = arith.constant 32 : index
        %get3A_257 = tpu.vector_load %arg6[%get3A_255, %get3A_256] {strides = array<i32>} : memref<200x64xf32, #tpu.memory_space<vmem>>, vector<1x16xf32>,
        %get3A_258 = vector.shape_cast %get3A_257 : vector<1x16xf32> to vector<16xf32>
        %add3A_259 = arith.addf %scan3A_244, %get3A_258 : vector<16xf32>
        %get3A_260 = arith.index_cast %scan3A_241 : i32 to index
        %get3A_261 = arith.constant 48 : index
        %get3A_262 = tpu.vector_load %arg6[%get3A_260, %get3A_261] {strides = array<i32>} : memref<200x64xf32, #tpu.memory_space<vmem>>, vector<1x16xf32>,
        %get3A_263 = vector.shape_cast %get3A_262 : vector<1x16xf32> to vector<16xf32>
        %add3A_264 = arith.addf %scan3A_245, %get3A_263 : vector<16xf32>
        %scan3A_265 = arith.constant 1 : i32
        %scan3A_266 = arith.addi %scan3A_241, %scan3A_265 : i32
        %get3A_267 = arith.index_cast %scan3A_266 : i32 to index
        %get3A_268 = arith.constant 0 : index
        %get3A_269 = tpu.vector_load %arg6[%get3A_267, %get3A_268] {strides = array<i32>} : memref<200x64xf32, #tpu.memory_space<vmem>>, vector<1x16xf32>,
        %get3A_270 = vector.shape_cast %get3A_269 : vector<1x16xf32> to vector<16xf32>
        %add3A_271 = arith.addf %add3A_249, %get3A_270 : vector<16xf32>
        %get3A_272 = arith.index_cast %scan3A_266 : i32 to index
        %get3A_273 = arith.constant 16 : index
        %get3A_274 = tpu.vector_load %arg6[%get3A_272, %get3A_273] {strides = array<i32>} : memref<200x64xf32, #tpu.memory_space<vmem>>, vector<1x16xf32>,
        %get3A_275 = vector.shape_cast %get3A_274 : vector<1x16xf32> to vector<16xf32>
        %add3A_276 = arith.addf %add3A_254, %get3A_275 : vector<16xf32>
        %get3A_277 = arith.index_cast %scan3A_266 : i32 to index
        %get3A_278 = arith.constant 32 : index
        %get3A_279 = tpu.vector_load %arg6[%get3A_277, %get3A_278] {strides = array<i32>} : memref<200x64xf32, #tpu.memory_space<vmem>>, vector<1x16xf32>,
        %get3A_280 = vector.shape_cast %get3A_279 : vector<1x16xf32> to vector<16xf32>
        %add3A_281 = arith.addf %add3A_259, %get3A_280 : vector<16xf32>
        %get3A_282 = arith.index_cast %scan3A_266 : i32 to index
        %get3A_283 = arith.constant 48 : index
        %get3A_284 = tpu.vector_load %arg6[%get3A_282, %get3A_283] {strides = array<i32>} : memref<200x64xf32, #tpu.memory_space<vmem>>, vector<1x16xf32>,
        %get3A_285 = vector.shape_cast %get3A_284 : vector<1x16xf32> to vector<16xf32>
        %add3A_286 = arith.addf %add3A_264, %get3A_285 : vector<16xf32>
        %scan3A_287 = arith.constant 2 : i32
        %scan3A_288 = arith.addi %scan3A_241, %scan3A_287 : i32
        %get3A_289 = arith.index_cast %scan3A_288 : i32 to index
        %get3A_290 = arith.constant 0 : index
        %get3A_291 = tpu.vector_load %arg6[%get3A_289, %get3A_290] {strides = array<i32>} : memref<200x64xf32, #tpu.memory_space<vmem>>, vector<1x16xf32>,
        %get3A_292 = vector.shape_cast %get3A_291 : vector<1x16xf32> to vector<16xf32>
        %add3A_293 = arith.addf %add3A_271, %get3A_292 : vector<16xf32>
        %get3A_294 = arith.index_cast %scan3A_288 : i32 to index
        %get3A_295 = arith.constant 16 : index
        %get3A_296 = tpu.vector_load %arg6[%get3A_294, %get3A_295] {strides = array<i32>} : memref<200x64xf32, #tpu.memory_space<vmem>>, vector<1x16xf32>,
        %get3A_297 = vector.shape_cast %get3A_296 : vector<1x16xf32> to vector<16xf32>
        %add3A_298 = arith.addf %add3A_276, %get3A_297 : vector<16xf32>
        %get3A_299 = arith.index_cast %scan3A_288 : i32 to index
        %get3A_300 = arith.constant 32 : index
        %get3A_301 = tpu.vector_load %arg6[%get3A_299, %get3A_300] {strides = array<i32>} : memref<200x64xf32, #tpu.memory_space<vmem>>, vector<1x16xf32>,
        %get3A_302 = vector.shape_cast %get3A_301 : vector<1x16xf32> to vector<16xf32>
        %add3A_303 = arith.addf %add3A_281, %get3A_302 : vector<16xf32>
        %get3A_304 = arith.index_cast %scan3A_288 : i32 to index
        %get3A_305 = arith.constant 48 : index
        %get3A_306 = tpu.vector_load %arg6[%get3A_304, %get3A_305] {strides = array<i32>} : memref<200x64xf32, #tpu.memory_space<vmem>>, vector<1x16xf32>,
        %get3A_307 = vector.shape_cast %get3A_306 : vector<1x16xf32> to vector<16xf32>
        %add3A_308 = arith.addf %add3A_286, %get3A_307 : vector<16xf32>
        %scan3A_309 = arith.constant 3 : i32
        %scan3A_310 = arith.addi %scan3A_241, %scan3A_309 : i32
        %get3A_311 = arith.index_cast %scan3A_310 : i32 to index
        %get3A_312 = arith.constant 0 : index
        %get3A_313 = tpu.vector_load %arg6[%get3A_311, %get3A_312] {strides = array<i32>} : memref<200x64xf32, #tpu.memory_space<vmem>>, vector<1x16xf32>,
        %get3A_314 = vector.shape_cast %get3A_313 : vector<1x16xf32> to vector<16xf32>
        %add3A_315 = arith.addf %add3A_293, %get3A_314 : vector<16xf32>
        %get3A_316 = arith.index_cast %scan3A_310 : i32 to index
        %get3A_317 = arith.constant 16 : index
        %get3A_318 = tpu.vector_load %arg6[%get3A_316, %get3A_317] {strides = array<i32>} : memref<200x64xf32, #tpu.memory_space<vmem>>, vector<1x16xf32>,
        %get3A_319 = vector.shape_cast %get3A_318 : vector<1x16xf32> to vector<16xf32>
        %add3A_320 = arith.addf %add3A_298, %get3A_319 : vector<16xf32>
        %get3A_321 = arith.index_cast %scan3A_310 : i32 to index
        %get3A_322 = arith.constant 32 : index
        %get3A_323 = tpu.vector_load %arg6[%get3A_321, %get3A_322] {strides = array<i32>} : memref<200x64xf32, #tpu.memory_space<vmem>>, vector<1x16xf32>,
        %get3A_324 = vector.shape_cast %get3A_323 : vector<1x16xf32> to vector<16xf32>
        %add3A_325 = arith.addf %add3A_303, %get3A_324 : vector<16xf32>
        %get3A_326 = arith.index_cast %scan3A_310 : i32 to index
        %get3A_327 = arith.constant 48 : index
        %get3A_328 = tpu.vector_load %arg6[%get3A_326, %get3A_327] {strides = array<i32>} : memref<200x64xf32, #tpu.memory_space<vmem>>, vector<1x16xf32>,
        %get3A_329 = vector.shape_cast %get3A_328 : vector<1x16xf32> to vector<16xf32>
        %add3A_330 = arith.addf %add3A_308, %get3A_329 : vector<16xf32>
        scf.yield %add3A_315, %add3A_320, %add3A_325, %add3A_330 : vector<16xf32>, vector<16xf32>, vector<16xf32>, vector<16xf32>
      }
      %scan3A_56 = arith.constant 200 : i32
      %swap3A = arith.index_cast %add3A_43 : i32 to index
      %swap3A_57 = arith.constant 0 : index
      %swap3A_58 = tpu.vector_load %arg10[%swap3A, %swap3A_57] {strides = array<i32>} : memref<128x64xf32, #tpu.memory_space<vmem>>, vector<1x16xf32>,
      %swap3A_59 = vector.shape_cast %swap3A_58 : vector<1x16xf32> to vector<16xf32>
      %swap3A_60 = vector.shape_cast %scan3A_55#0 : vector<16xf32> to vector<1x16xf32>
      tpu.vector_store %arg10[%swap3A, %swap3A_57], %swap3A_60 {strides = array<i32>} : memref<128x64xf32, #tpu.memory_space<vmem>>, vector<1x16xf32>,
      %swap3A_61 = arith.index_cast %add3A_43 : i32 to index
      %swap3A_62 = arith.constant 16 : index
      %swap3A_63 = tpu.vector_load %arg10[%swap3A_61, %swap3A_62] {strides = array<i32>} : memref<128x64xf32, #tpu.memory_space<vmem>>, vector<1x16xf32>,
      %swap3A_64 = vector.shape_cast %swap3A_63 : vector<1x16xf32> to vector<16xf32>
      %swap3A_65 = vector.shape_cast %scan3A_55#1 : vector<16xf32> to vector<1x16xf32>
      tpu.vector_store %arg10[%swap3A_61, %swap3A_62], %swap3A_65 {strides = array<i32>} : memref<128x64xf32, #tpu.memory_space<vmem>>, vector<1x16xf32>,
      %swap3A_66 = arith.index_cast %add3A_43 : i32 to index
      %swap3A_67 = arith.constant 32 : index
      %swap3A_68 = tpu.vector_load %arg10[%swap3A_66, %swap3A_67] {strides = array<i32>} : memref<128x64xf32, #tpu.memory_space<vmem>>, vector<1x16xf32>,
      %swap3A_69 = vector.shape_cast %swap3A_68 : vector<1x16xf32> to vector<16xf32>
      %swap3A_70 = vector.shape_cast %scan3A_55#2 : vector<16xf32> to vector<1x16xf32>
      tpu.vector_store %arg10[%swap3A_66, %swap3A_67], %swap3A_70 {strides = array<i32>} : memref<128x64xf32, #tpu.memory_space<vmem>>, vector<1x16xf32>,
      %swap3A_71 = arith.index_cast %add3A_43 : i32 to index
      %swap3A_72 = arith.constant 48 : index
      %swap3A_73 = tpu.vector_load %arg10[%swap3A_71, %swap3A_72] {strides = array<i32>} : memref<128x64xf32, #tpu.memory_space<vmem>>, vector<1x16xf32>,
      %swap3A_74 = vector.shape_cast %swap3A_73 : vector<1x16xf32> to vector<16xf32>
      %swap3A_75 = vector.shape_cast %scan3A_55#3 : vector<16xf32> to vector<1x16xf32>
      tpu.vector_store %arg10[%swap3A_71, %swap3A_72], %swap3A_75 {strides = array<i32>} : memref<128x64xf32, #tpu.memory_space<vmem>>, vector<1x16xf32>,
      %add3A_76 = arith.constant 1 : i32
      %add3A_77 = arith.addi %add3A_27, %add3A_76 : i32
      %add3A_78 = arith.constant 4 : i32
      %add3A_79 = arith.addi %add3A_77, %add3A_78 : i32
      %sub3A_80 = arith.constant 1 : i32
      %sub3A_81 = arith.subi %add3A_79, %sub3A_80 : i32
      %lt3A_82 = arith.constant 128 : i32
      %lt3A_83 = arith.cmpi slt, %sub3A_81, %lt3A_82 : i32
      %convert_element_type3A_84 = arith.extui %lt3A_83 : i1 to i32
      %cond3A_85 = arith.constant 0 : i32
      %cond3A_86 = arith.cmpi ne, %convert_element_type3A_84, %cond3A_85 : i32
      scf.if %cond3A_86 {
        %mul3A_241 = arith.constant 200 : i32
        %mul3A_242 = arith.muli %sub3A_81, %mul3A_241 : i32
        %dma_start3A_243 = tpu.memref_slice %arg5[%mul3A_242] : memref<25600xi32, #tpu.memory_space<vmem>> -> memref<200xi32, #tpu.memory_space<vmem>>
        %dma_start3A_244 = arith.constant 0 : i32
        %dma_start3A_245 = arith.constant 0 : i32
        %dma_start3A_246 = tpu.memref_slice %arg3[%dma_start3A_244, %dma_start3A_245] : memref<1015808x64xf32, #tpu.memory_space<hbm>> -> memref<1015808x64xf32, #tpu.memory_space<hbm>>
        tpu.enqueue_indirect_dma source(%dma_start3A_246 : memref<1015808x64xf32, #tpu.memory_space<hbm>>) target(%arg6 : memref<200x64xf32, #tpu.memory_space<vmem>>) offsets(%dma_start3A_243 : memref<200xi32, #tpu.memory_space<vmem>>) semaphore(%arg11 : memref<!tpu.dma_semaphore, #tpu.memory_space<semaphore_mem>>)
      } else {
      }
      %add3A_87 = arith.constant 1 : i32
      %add3A_88 = arith.addi %add3A_27, %add3A_87 : i32
      %mul3A_89 = arith.constant 200 : i32
      %mul3A_90 = arith.muli %add3A_88, %mul3A_89 : i32
      %dma_wait3A_91 = tpu.memref_slice %arg5[%mul3A_90] : memref<25600xi32, #tpu.memory_space<vmem>> -> memref<200xi32, #tpu.memory_space<vmem>>
      %dma_wait3A_92 = arith.constant 0 : i32
      %dma_wait3A_93 = arith.constant 0 : i32
      %dma_wait3A_94 = tpu.memref_slice %arg3[%dma_wait3A_92, %dma_wait3A_93] : memref<1015808x64xf32, #tpu.memory_space<hbm>> -> memref<1015808x64xf32, #tpu.memory_space<hbm>>
      tpu.wait_indirect_dma semaphore(%arg12 : memref<!tpu.dma_semaphore, #tpu.memory_space<semaphore_mem>>) src(%dma_wait3A_94 : memref<1015808x64xf32, #tpu.memory_space<hbm>>) dst(%arg7 : memref<200x64xf32, #tpu.memory_space<vmem>>)
      %add3A_95 = arith.constant 1 : i32
      %add3A_96 = arith.addi %add3A_27, %add3A_95 : i32
      %broadcast_in_dim3A_97 = arith.constant 0.000000e+00 : f32
      %broadcast_in_dim3A_98 = vector.broadcast %broadcast_in_dim3A_97 : f32 to vector<16xf32>
      %broadcast_in_dim3A_99 = arith.constant 0.000000e+00 : f32
      %broadcast_in_dim3A_100 = vector.broadcast %broadcast_in_dim3A_99 : f32 to vector<16xf32>
      %broadcast_in_dim3A_101 = arith.constant 0.000000e+00 : f32
      %broadcast_in_dim3A_102 = vector.broadcast %broadcast_in_dim3A_101 : f32 to vector<16xf32>
      %broadcast_in_dim3A_103 = arith.constant 0.000000e+00 : f32
      %broadcast_in_dim3A_104 = vector.broadcast %broadcast_in_dim3A_103 : f32 to vector<16xf32>
      %scan3A_105 = arith.constant 0 : i32
      %scan3A_106 = arith.constant 200 : i32
      %scan3A_107 = arith.addi %scan3A_105, %scan3A_106 : i32
      %scan3A_108 = arith.constant 4 : i32
      %scan3A_109:4 = scf.for %scan3A_241 = %scan3A_105 to %scan3A_107 step %scan3A_108 iter_args(%scan3A_242 = %broadcast_in_dim3A_98, %scan3A_243 = %broadcast_in_dim3A_100, %scan3A_244 = %broadcast_in_dim3A_102, %scan3A_245 = %broadcast_in_dim3A_104) -> (vector<16xf32>, vector<16xf32>, vector<16xf32>, vector<16xf32>)  : i32 {
        %get3A = arith.index_cast %scan3A_241 : i32 to index
        %get3A_246 = arith.constant 0 : index
        %get3A_247 = tpu.vector_load %arg7[%get3A, %get3A_246] {strides = array<i32>} : memref<200x64xf32, #tpu.memory_space<vmem>>, vector<1x16xf32>,
        %get3A_248 = vector.shape_cast %get3A_247 : vector<1x16xf32> to vector<16xf32>
        %add3A_249 = arith.addf %scan3A_242, %get3A_248 : vector<16xf32>
        %get3A_250 = arith.index_cast %scan3A_241 : i32 to index
        %get3A_251 = arith.constant 16 : index
        %get3A_252 = tpu.vector_load %arg7[%get3A_250, %get3A_251] {strides = array<i32>} : memref<200x64xf32, #tpu.memory_space<vmem>>, vector<1x16xf32>,
        %get3A_253 = vector.shape_cast %get3A_252 : vector<1x16xf32> to vector<16xf32>
        %add3A_254 = arith.addf %scan3A_243, %get3A_253 : vector<16xf32>
        %get3A_255 = arith.index_cast %scan3A_241 : i32 to index
        %get3A_256 = arith.constant 32 : index
        %get3A_257 = tpu.vector_load %arg7[%get3A_255, %get3A_256] {strides = array<i32>} : memref<200x64xf32, #tpu.memory_space<vmem>>, vector<1x16xf32>,
        %get3A_258 = vector.shape_cast %get3A_257 : vector<1x16xf32> to vector<16xf32>
        %add3A_259 = arith.addf %scan3A_244, %get3A_258 : vector<16xf32>
        %get3A_260 = arith.index_cast %scan3A_241 : i32 to index
        %get3A_261 = arith.constant 48 : index
        %get3A_262 = tpu.vector_load %arg7[%get3A_260, %get3A_261] {strides = array<i32>} : memref<200x64xf32, #tpu.memory_space<vmem>>, vector<1x16xf32>,
        %get3A_263 = vector.shape_cast %get3A_262 : vector<1x16xf32> to vector<16xf32>
        %add3A_264 = arith.addf %scan3A_245, %get3A_263 : vector<16xf32>
        %scan3A_265 = arith.constant 1 : i32
        %scan3A_266 = arith.addi %scan3A_241, %scan3A_265 : i32
        %get3A_267 = arith.index_cast %scan3A_266 : i32 to index
        %get3A_268 = arith.constant 0 : index
        %get3A_269 = tpu.vector_load %arg7[%get3A_267, %get3A_268] {strides = array<i32>} : memref<200x64xf32, #tpu.memory_space<vmem>>, vector<1x16xf32>,
        %get3A_270 = vector.shape_cast %get3A_269 : vector<1x16xf32> to vector<16xf32>
        %add3A_271 = arith.addf %add3A_249, %get3A_270 : vector<16xf32>
        %get3A_272 = arith.index_cast %scan3A_266 : i32 to index
        %get3A_273 = arith.constant 16 : index
        %get3A_274 = tpu.vector_load %arg7[%get3A_272, %get3A_273] {strides = array<i32>} : memref<200x64xf32, #tpu.memory_space<vmem>>, vector<1x16xf32>,
        %get3A_275 = vector.shape_cast %get3A_274 : vector<1x16xf32> to vector<16xf32>
        %add3A_276 = arith.addf %add3A_254, %get3A_275 : vector<16xf32>
        %get3A_277 = arith.index_cast %scan3A_266 : i32 to index
        %get3A_278 = arith.constant 32 : index
        %get3A_279 = tpu.vector_load %arg7[%get3A_277, %get3A_278] {strides = array<i32>} : memref<200x64xf32, #tpu.memory_space<vmem>>, vector<1x16xf32>,
        %get3A_280 = vector.shape_cast %get3A_279 : vector<1x16xf32> to vector<16xf32>
        %add3A_281 = arith.addf %add3A_259, %get3A_280 : vector<16xf32>
        %get3A_282 = arith.index_cast %scan3A_266 : i32 to index
        %get3A_283 = arith.constant 48 : index
        %get3A_284 = tpu.vector_load %arg7[%get3A_282, %get3A_283] {strides = array<i32>} : memref<200x64xf32, #tpu.memory_space<vmem>>, vector<1x16xf32>,
        %get3A_285 = vector.shape_cast %get3A_284 : vector<1x16xf32> to vector<16xf32>
        %add3A_286 = arith.addf %add3A_264, %get3A_285 : vector<16xf32>
        %scan3A_287 = arith.constant 2 : i32
        %scan3A_288 = arith.addi %scan3A_241, %scan3A_287 : i32
        %get3A_289 = arith.index_cast %scan3A_288 : i32 to index
        %get3A_290 = arith.constant 0 : index
        %get3A_291 = tpu.vector_load %arg7[%get3A_289, %get3A_290] {strides = array<i32>} : memref<200x64xf32, #tpu.memory_space<vmem>>, vector<1x16xf32>,
        %get3A_292 = vector.shape_cast %get3A_291 : vector<1x16xf32> to vector<16xf32>
        %add3A_293 = arith.addf %add3A_271, %get3A_292 : vector<16xf32>
        %get3A_294 = arith.index_cast %scan3A_288 : i32 to index
        %get3A_295 = arith.constant 16 : index
        %get3A_296 = tpu.vector_load %arg7[%get3A_294, %get3A_295] {strides = array<i32>} : memref<200x64xf32, #tpu.memory_space<vmem>>, vector<1x16xf32>,
        %get3A_297 = vector.shape_cast %get3A_296 : vector<1x16xf32> to vector<16xf32>
        %add3A_298 = arith.addf %add3A_276, %get3A_297 : vector<16xf32>
        %get3A_299 = arith.index_cast %scan3A_288 : i32 to index
        %get3A_300 = arith.constant 32 : index
        %get3A_301 = tpu.vector_load %arg7[%get3A_299, %get3A_300] {strides = array<i32>} : memref<200x64xf32, #tpu.memory_space<vmem>>, vector<1x16xf32>,
        %get3A_302 = vector.shape_cast %get3A_301 : vector<1x16xf32> to vector<16xf32>
        %add3A_303 = arith.addf %add3A_281, %get3A_302 : vector<16xf32>
        %get3A_304 = arith.index_cast %scan3A_288 : i32 to index
        %get3A_305 = arith.constant 48 : index
        %get3A_306 = tpu.vector_load %arg7[%get3A_304, %get3A_305] {strides = array<i32>} : memref<200x64xf32, #tpu.memory_space<vmem>>, vector<1x16xf32>,
        %get3A_307 = vector.shape_cast %get3A_306 : vector<1x16xf32> to vector<16xf32>
        %add3A_308 = arith.addf %add3A_286, %get3A_307 : vector<16xf32>
        %scan3A_309 = arith.constant 3 : i32
        %scan3A_310 = arith.addi %scan3A_241, %scan3A_309 : i32
        %get3A_311 = arith.index_cast %scan3A_310 : i32 to index
        %get3A_312 = arith.constant 0 : index
        %get3A_313 = tpu.vector_load %arg7[%get3A_311, %get3A_312] {strides = array<i32>} : memref<200x64xf32, #tpu.memory_space<vmem>>, vector<1x16xf32>,
        %get3A_314 = vector.shape_cast %get3A_313 : vector<1x16xf32> to vector<16xf32>
        %add3A_315 = arith.addf %add3A_293, %get3A_314 : vector<16xf32>
        %get3A_316 = arith.index_cast %scan3A_310 : i32 to index
        %get3A_317 = arith.constant 16 : index
        %get3A_318 = tpu.vector_load %arg7[%get3A_316, %get3A_317] {strides = array<i32>} : memref<200x64xf32, #tpu.memory_space<vmem>>, vector<1x16xf32>,
        %get3A_319 = vector.shape_cast %get3A_318 : vector<1x16xf32> to vector<16xf32>
        %add3A_320 = arith.addf %add3A_298, %get3A_319 : vector<16xf32>
        %get3A_321 = arith.index_cast %scan3A_310 : i32 to index
        %get3A_322 = arith.constant 32 : index
        %get3A_323 = tpu.vector_load %arg7[%get3A_321, %get3A_322] {strides = array<i32>} : memref<200x64xf32, #tpu.memory_space<vmem>>, vector<1x16xf32>,
        %get3A_324 = vector.shape_cast %get3A_323 : vector<1x16xf32> to vector<16xf32>
        %add3A_325 = arith.addf %add3A_303, %get3A_324 : vector<16xf32>
        %get3A_326 = arith.index_cast %scan3A_310 : i32 to index
        %get3A_327 = arith.constant 48 : index
        %get3A_328 = tpu.vector_load %arg7[%get3A_326, %get3A_327] {strides = array<i32>} : memref<200x64xf32, #tpu.memory_space<vmem>>, vector<1x16xf32>,
        %get3A_329 = vector.shape_cast %get3A_328 : vector<1x16xf32> to vector<16xf32>
        %add3A_330 = arith.addf %add3A_308, %get3A_329 : vector<16xf32>
        scf.yield %add3A_315, %add3A_320, %add3A_325, %add3A_330 : vector<16xf32>, vector<16xf32>, vector<16xf32>, vector<16xf32>
      }
      %scan3A_110 = arith.constant 200 : i32
      %swap3A_111 = arith.index_cast %add3A_96 : i32 to index
      %swap3A_112 = arith.constant 0 : index
      %swap3A_113 = tpu.vector_load %arg10[%swap3A_111, %swap3A_112] {strides = array<i32>} : memref<128x64xf32, #tpu.memory_space<vmem>>, vector<1x16xf32>,
      %swap3A_114 = vector.shape_cast %swap3A_113 : vector<1x16xf32> to vector<16xf32>
      %swap3A_115 = vector.shape_cast %scan3A_109#0 : vector<16xf32> to vector<1x16xf32>
      tpu.vector_store %arg10[%swap3A_111, %swap3A_112], %swap3A_115 {strides = array<i32>} : memref<128x64xf32, #tpu.memory_space<vmem>>, vector<1x16xf32>,
      %swap3A_116 = arith.index_cast %add3A_96 : i32 to index
      %swap3A_117 = arith.constant 16 : index
      %swap3A_118 = tpu.vector_load %arg10[%swap3A_116, %swap3A_117] {strides = array<i32>} : memref<128x64xf32, #tpu.memory_space<vmem>>, vector<1x16xf32>,
      %swap3A_119 = vector.shape_cast %swap3A_118 : vector<1x16xf32> to vector<16xf32>
      %swap3A_120 = vector.shape_cast %scan3A_109#1 : vector<16xf32> to vector<1x16xf32>
      tpu.vector_store %arg10[%swap3A_116, %swap3A_117], %swap3A_120 {strides = array<i32>} : memref<128x64xf32, #tpu.memory_space<vmem>>, vector<1x16xf32>,
      %swap3A_121 = arith.index_cast %add3A_96 : i32 to index
      %swap3A_122 = arith.constant 32 : index
      %swap3A_123 = tpu.vector_load %arg10[%swap3A_121, %swap3A_122] {strides = array<i32>} : memref<128x64xf32, #tpu.memory_space<vmem>>, vector<1x16xf32>,
      %swap3A_124 = vector.shape_cast %swap3A_123 : vector<1x16xf32> to vector<16xf32>
      %swap3A_125 = vector.shape_cast %scan3A_109#2 : vector<16xf32> to vector<1x16xf32>
      tpu.vector_store %arg10[%swap3A_121, %swap3A_122], %swap3A_125 {strides = array<i32>} : memref<128x64xf32, #tpu.memory_space<vmem>>, vector<1x16xf32>,
      %swap3A_126 = arith.index_cast %add3A_96 : i32 to index
      %swap3A_127 = arith.constant 48 : index
      %swap3A_128 = tpu.vector_load %arg10[%swap3A_126, %swap3A_127] {strides = array<i32>} : memref<128x64xf32, #tpu.memory_space<vmem>>, vector<1x16xf32>,
      %swap3A_129 = vector.shape_cast %swap3A_128 : vector<1x16xf32> to vector<16xf32>
      %swap3A_130 = vector.shape_cast %scan3A_109#3 : vector<16xf32> to vector<1x16xf32>
      tpu.vector_store %arg10[%swap3A_126, %swap3A_127], %swap3A_130 {strides = array<i32>} : memref<128x64xf32, #tpu.memory_space<vmem>>, vector<1x16xf32>,
      %add3A_131 = arith.constant 2 : i32
      %add3A_132 = arith.addi %add3A_27, %add3A_131 : i32
      %add3A_133 = arith.constant 4 : i32
      %add3A_134 = arith.addi %add3A_132, %add3A_133 : i32
      %sub3A_135 = arith.constant 1 : i32
      %sub3A_136 = arith.subi %add3A_134, %sub3A_135 : i32
      %lt3A_137 = arith.constant 128 : i32
      %lt3A_138 = arith.cmpi slt, %sub3A_136, %lt3A_137 : i32
      %convert_element_type3A_139 = arith.extui %lt3A_138 : i1 to i32
      %cond3A_140 = arith.constant 0 : i32
      %cond3A_141 = arith.cmpi ne, %convert_element_type3A_139, %cond3A_140 : i32
      scf.if %cond3A_141 {
        %mul3A_241 = arith.constant 200 : i32
        %mul3A_242 = arith.muli %sub3A_136, %mul3A_241 : i32
        %dma_start3A_243 = tpu.memref_slice %arg5[%mul3A_242] : memref<25600xi32, #tpu.memory_space<vmem>> -> memref<200xi32, #tpu.memory_space<vmem>>
        %dma_start3A_244 = arith.constant 0 : i32
        %dma_start3A_245 = arith.constant 0 : i32
        %dma_start3A_246 = tpu.memref_slice %arg3[%dma_start3A_244, %dma_start3A_245] : memref<1015808x64xf32, #tpu.memory_space<hbm>> -> memref<1015808x64xf32, #tpu.memory_space<hbm>>
        tpu.enqueue_indirect_dma source(%dma_start3A_246 : memref<1015808x64xf32, #tpu.memory_space<hbm>>) target(%arg7 : memref<200x64xf32, #tpu.memory_space<vmem>>) offsets(%dma_start3A_243 : memref<200xi32, #tpu.memory_space<vmem>>) semaphore(%arg12 : memref<!tpu.dma_semaphore, #tpu.memory_space<semaphore_mem>>)
      } else {
      }
      %add3A_142 = arith.constant 2 : i32
      %add3A_143 = arith.addi %add3A_27, %add3A_142 : i32
      %mul3A_144 = arith.constant 200 : i32
      %mul3A_145 = arith.muli %add3A_143, %mul3A_144 : i32
      %dma_wait3A_146 = tpu.memref_slice %arg5[%mul3A_145] : memref<25600xi32, #tpu.memory_space<vmem>> -> memref<200xi32, #tpu.memory_space<vmem>>
      %dma_wait3A_147 = arith.constant 0 : i32
      %dma_wait3A_148 = arith.constant 0 : i32
      %dma_wait3A_149 = tpu.memref_slice %arg3[%dma_wait3A_147, %dma_wait3A_148] : memref<1015808x64xf32, #tpu.memory_space<hbm>> -> memref<1015808x64xf32, #tpu.memory_space<hbm>>
      tpu.wait_indirect_dma semaphore(%arg13 : memref<!tpu.dma_semaphore, #tpu.memory_space<semaphore_mem>>) src(%dma_wait3A_149 : memref<1015808x64xf32, #tpu.memory_space<hbm>>) dst(%arg8 : memref<200x64xf32, #tpu.memory_space<vmem>>)
      %add3A_150 = arith.constant 2 : i32
      %add3A_151 = arith.addi %add3A_27, %add3A_150 : i32
      %broadcast_in_dim3A_152 = arith.constant 0.000000e+00 : f32
      %broadcast_in_dim3A_153 = vector.broadcast %broadcast_in_dim3A_152 : f32 to vector<16xf32>
      %broadcast_in_dim3A_154 = arith.constant 0.000000e+00 : f32
      %broadcast_in_dim3A_155 = vector.broadcast %broadcast_in_dim3A_154 : f32 to vector<16xf32>
      %broadcast_in_dim3A_156 = arith.constant 0.000000e+00 : f32
      %broadcast_in_dim3A_157 = vector.broadcast %broadcast_in_dim3A_156 : f32 to vector<16xf32>
      %broadcast_in_dim3A_158 = arith.constant 0.000000e+00 : f32
      %broadcast_in_dim3A_159 = vector.broadcast %broadcast_in_dim3A_158 : f32 to vector<16xf32>
      %scan3A_160 = arith.constant 0 : i32
      %scan3A_161 = arith.constant 200 : i32
      %scan3A_162 = arith.addi %scan3A_160, %scan3A_161 : i32
      %scan3A_163 = arith.constant 4 : i32
      %scan3A_164:4 = scf.for %scan3A_241 = %scan3A_160 to %scan3A_162 step %scan3A_163 iter_args(%scan3A_242 = %broadcast_in_dim3A_153, %scan3A_243 = %broadcast_in_dim3A_155, %scan3A_244 = %broadcast_in_dim3A_157, %scan3A_245 = %broadcast_in_dim3A_159) -> (vector<16xf32>, vector<16xf32>, vector<16xf32>, vector<16xf32>)  : i32 {
        %get3A = arith.index_cast %scan3A_241 : i32 to index
        %get3A_246 = arith.constant 0 : index
        %get3A_247 = tpu.vector_load %arg8[%get3A, %get3A_246] {strides = array<i32>} : memref<200x64xf32, #tpu.memory_space<vmem>>, vector<1x16xf32>,
        %get3A_248 = vector.shape_cast %get3A_247 : vector<1x16xf32> to vector<16xf32>
        %add3A_249 = arith.addf %scan3A_242, %get3A_248 : vector<16xf32>
        %get3A_250 = arith.index_cast %scan3A_241 : i32 to index
        %get3A_251 = arith.constant 16 : index
        %get3A_252 = tpu.vector_load %arg8[%get3A_250, %get3A_251] {strides = array<i32>} : memref<200x64xf32, #tpu.memory_space<vmem>>, vector<1x16xf32>,
        %get3A_253 = vector.shape_cast %get3A_252 : vector<1x16xf32> to vector<16xf32>
        %add3A_254 = arith.addf %scan3A_243, %get3A_253 : vector<16xf32>
        %get3A_255 = arith.index_cast %scan3A_241 : i32 to index
        %get3A_256 = arith.constant 32 : index
        %get3A_257 = tpu.vector_load %arg8[%get3A_255, %get3A_256] {strides = array<i32>} : memref<200x64xf32, #tpu.memory_space<vmem>>, vector<1x16xf32>,
        %get3A_258 = vector.shape_cast %get3A_257 : vector<1x16xf32> to vector<16xf32>
        %add3A_259 = arith.addf %scan3A_244, %get3A_258 : vector<16xf32>
        %get3A_260 = arith.index_cast %scan3A_241 : i32 to index
        %get3A_261 = arith.constant 48 : index
        %get3A_262 = tpu.vector_load %arg8[%get3A_260, %get3A_261] {strides = array<i32>} : memref<200x64xf32, #tpu.memory_space<vmem>>, vector<1x16xf32>,
        %get3A_263 = vector.shape_cast %get3A_262 : vector<1x16xf32> to vector<16xf32>
        %add3A_264 = arith.addf %scan3A_245, %get3A_263 : vector<16xf32>
        %scan3A_265 = arith.constant 1 : i32
        %scan3A_266 = arith.addi %scan3A_241, %scan3A_265 : i32
        %get3A_267 = arith.index_cast %scan3A_266 : i32 to index
        %get3A_268 = arith.constant 0 : index
        %get3A_269 = tpu.vector_load %arg8[%get3A_267, %get3A_268] {strides = array<i32>} : memref<200x64xf32, #tpu.memory_space<vmem>>, vector<1x16xf32>,
        %get3A_270 = vector.shape_cast %get3A_269 : vector<1x16xf32> to vector<16xf32>
        %add3A_271 = arith.addf %add3A_249, %get3A_270 : vector<16xf32>
        %get3A_272 = arith.index_cast %scan3A_266 : i32 to index
        %get3A_273 = arith.constant 16 : index
        %get3A_274 = tpu.vector_load %arg8[%get3A_272, %get3A_273] {strides = array<i32>} : memref<200x64xf32, #tpu.memory_space<vmem>>, vector<1x16xf32>,
        %get3A_275 = vector.shape_cast %get3A_274 : vector<1x16xf32> to vector<16xf32>
        %add3A_276 = arith.addf %add3A_254, %get3A_275 : vector<16xf32>
        %get3A_277 = arith.index_cast %scan3A_266 : i32 to index
        %get3A_278 = arith.constant 32 : index
        %get3A_279 = tpu.vector_load %arg8[%get3A_277, %get3A_278] {strides = array<i32>} : memref<200x64xf32, #tpu.memory_space<vmem>>, vector<1x16xf32>,
        %get3A_280 = vector.shape_cast %get3A_279 : vector<1x16xf32> to vector<16xf32>
        %add3A_281 = arith.addf %add3A_259, %get3A_280 : vector<16xf32>
        %get3A_282 = arith.index_cast %scan3A_266 : i32 to index
        %get3A_283 = arith.constant 48 : index
        %get3A_284 = tpu.vector_load %arg8[%get3A_282, %get3A_283] {strides = array<i32>} : memref<200x64xf32, #tpu.memory_space<vmem>>, vector<1x16xf32>,
        %get3A_285 = vector.shape_cast %get3A_284 : vector<1x16xf32> to vector<16xf32>
        %add3A_286 = arith.addf %add3A_264, %get3A_285 : vector<16xf32>
        %scan3A_287 = arith.constant 2 : i32
        %scan3A_288 = arith.addi %scan3A_241, %scan3A_287 : i32
        %get3A_289 = arith.index_cast %scan3A_288 : i32 to index
        %get3A_290 = arith.constant 0 : index
        %get3A_291 = tpu.vector_load %arg8[%get3A_289, %get3A_290] {strides = array<i32>} : memref<200x64xf32, #tpu.memory_space<vmem>>, vector<1x16xf32>,
        %get3A_292 = vector.shape_cast %get3A_291 : vector<1x16xf32> to vector<16xf32>
        %add3A_293 = arith.addf %add3A_271, %get3A_292 : vector<16xf32>
        %get3A_294 = arith.index_cast %scan3A_288 : i32 to index
        %get3A_295 = arith.constant 16 : index
        %get3A_296 = tpu.vector_load %arg8[%get3A_294, %get3A_295] {strides = array<i32>} : memref<200x64xf32, #tpu.memory_space<vmem>>, vector<1x16xf32>,
        %get3A_297 = vector.shape_cast %get3A_296 : vector<1x16xf32> to vector<16xf32>
        %add3A_298 = arith.addf %add3A_276, %get3A_297 : vector<16xf32>
        %get3A_299 = arith.index_cast %scan3A_288 : i32 to index
        %get3A_300 = arith.constant 32 : index
        %get3A_301 = tpu.vector_load %arg8[%get3A_299, %get3A_300] {strides = array<i32>} : memref<200x64xf32, #tpu.memory_space<vmem>>, vector<1x16xf32>,
        %get3A_302 = vector.shape_cast %get3A_301 : vector<1x16xf32> to vector<16xf32>
        %add3A_303 = arith.addf %add3A_281, %get3A_302 : vector<16xf32>
        %get3A_304 = arith.index_cast %scan3A_288 : i32 to index
        %get3A_305 = arith.constant 48 : index
        %get3A_306 = tpu.vector_load %arg8[%get3A_304, %get3A_305] {strides = array<i32>} : memref<200x64xf32, #tpu.memory_space<vmem>>, vector<1x16xf32>,
        %get3A_307 = vector.shape_cast %get3A_306 : vector<1x16xf32> to vector<16xf32>
        %add3A_308 = arith.addf %add3A_286, %get3A_307 : vector<16xf32>
        %scan3A_309 = arith.constant 3 : i32
        %scan3A_310 = arith.addi %scan3A_241, %scan3A_309 : i32
        %get3A_311 = arith.index_cast %scan3A_310 : i32 to index
        %get3A_312 = arith.constant 0 : index
        %get3A_313 = tpu.vector_load %arg8[%get3A_311, %get3A_312] {strides = array<i32>} : memref<200x64xf32, #tpu.memory_space<vmem>>, vector<1x16xf32>,
        %get3A_314 = vector.shape_cast %get3A_313 : vector<1x16xf32> to vector<16xf32>
        %add3A_315 = arith.addf %add3A_293, %get3A_314 : vector<16xf32>
        %get3A_316 = arith.index_cast %scan3A_310 : i32 to index
        %get3A_317 = arith.constant 16 : index
        %get3A_318 = tpu.vector_load %arg8[%get3A_316, %get3A_317] {strides = array<i32>} : memref<200x64xf32, #tpu.memory_space<vmem>>, vector<1x16xf32>,
        %get3A_319 = vector.shape_cast %get3A_318 : vector<1x16xf32> to vector<16xf32>
        %add3A_320 = arith.addf %add3A_298, %get3A_319 : vector<16xf32>
        %get3A_321 = arith.index_cast %scan3A_310 : i32 to index
        %get3A_322 = arith.constant 32 : index
        %get3A_323 = tpu.vector_load %arg8[%get3A_321, %get3A_322] {strides = array<i32>} : memref<200x64xf32, #tpu.memory_space<vmem>>, vector<1x16xf32>,
        %get3A_324 = vector.shape_cast %get3A_323 : vector<1x16xf32> to vector<16xf32>
        %add3A_325 = arith.addf %add3A_303, %get3A_324 : vector<16xf32>
        %get3A_326 = arith.index_cast %scan3A_310 : i32 to index
        %get3A_327 = arith.constant 48 : index
        %get3A_328 = tpu.vector_load %arg8[%get3A_326, %get3A_327] {strides = array<i32>} : memref<200x64xf32, #tpu.memory_space<vmem>>, vector<1x16xf32>,
        %get3A_329 = vector.shape_cast %get3A_328 : vector<1x16xf32> to vector<16xf32>
        %add3A_330 = arith.addf %add3A_308, %get3A_329 : vector<16xf32>
        scf.yield %add3A_315, %add3A_320, %add3A_325, %add3A_330 : vector<16xf32>, vector<16xf32>, vector<16xf32>, vector<16xf32>
      }
      %scan3A_165 = arith.constant 200 : i32
      %swap3A_166 = arith.index_cast %add3A_151 : i32 to index
      %swap3A_167 = arith.constant 0 : index
      %swap3A_168 = tpu.vector_load %arg10[%swap3A_166, %swap3A_167] {strides = array<i32>} : memref<128x64xf32, #tpu.memory_space<vmem>>, vector<1x16xf32>,
      %swap3A_169 = vector.shape_cast %swap3A_168 : vector<1x16xf32> to vector<16xf32>
      %swap3A_170 = vector.shape_cast %scan3A_164#0 : vector<16xf32> to vector<1x16xf32>
      tpu.vector_store %arg10[%swap3A_166, %swap3A_167], %swap3A_170 {strides = array<i32>} : memref<128x64xf32, #tpu.memory_space<vmem>>, vector<1x16xf32>,
      %swap3A_171 = arith.index_cast %add3A_151 : i32 to index
      %swap3A_172 = arith.constant 16 : index
      %swap3A_173 = tpu.vector_load %arg10[%swap3A_171, %swap3A_172] {strides = array<i32>} : memref<128x64xf32, #tpu.memory_space<vmem>>, vector<1x16xf32>,
      %swap3A_174 = vector.shape_cast %swap3A_173 : vector<1x16xf32> to vector<16xf32>
      %swap3A_175 = vector.shape_cast %scan3A_164#1 : vector<16xf32> to vector<1x16xf32>
      tpu.vector_store %arg10[%swap3A_171, %swap3A_172], %swap3A_175 {strides = array<i32>} : memref<128x64xf32, #tpu.memory_space<vmem>>, vector<1x16xf32>,
      %swap3A_176 = arith.index_cast %add3A_151 : i32 to index
      %swap3A_177 = arith.constant 32 : index
      %swap3A_178 = tpu.vector_load %arg10[%swap3A_176, %swap3A_177] {strides = array<i32>} : memref<128x64xf32, #tpu.memory_space<vmem>>, vector<1x16xf32>,
      %swap3A_179 = vector.shape_cast %swap3A_178 : vector<1x16xf32> to vector<16xf32>
      %swap3A_180 = vector.shape_cast %scan3A_164#2 : vector<16xf32> to vector<1x16xf32>
      tpu.vector_store %arg10[%swap3A_176, %swap3A_177], %swap3A_180 {strides = array<i32>} : memref<128x64xf32, #tpu.memory_space<vmem>>, vector<1x16xf32>,
      %swap3A_181 = arith.index_cast %add3A_151 : i32 to index
      %swap3A_182 = arith.constant 48 : index
      %swap3A_183 = tpu.vector_load %arg10[%swap3A_181, %swap3A_182] {strides = array<i32>} : memref<128x64xf32, #tpu.memory_space<vmem>>, vector<1x16xf32>,
      %swap3A_184 = vector.shape_cast %swap3A_183 : vector<1x16xf32> to vector<16xf32>
      %swap3A_185 = vector.shape_cast %scan3A_164#3 : vector<16xf32> to vector<1x16xf32>
      tpu.vector_store %arg10[%swap3A_181, %swap3A_182], %swap3A_185 {strides = array<i32>} : memref<128x64xf32, #tpu.memory_space<vmem>>, vector<1x16xf32>,
      %add3A_186 = arith.constant 3 : i32
      %add3A_187 = arith.addi %add3A_27, %add3A_186 : i32
      %add3A_188 = arith.constant 4 : i32
      %add3A_189 = arith.addi %add3A_187, %add3A_188 : i32
      %sub3A_190 = arith.constant 1 : i32
      %sub3A_191 = arith.subi %add3A_189, %sub3A_190 : i32
      %lt3A_192 = arith.constant 128 : i32
      %lt3A_193 = arith.cmpi slt, %sub3A_191, %lt3A_192 : i32
      %convert_element_type3A_194 = arith.extui %lt3A_193 : i1 to i32
      %cond3A_195 = arith.constant 0 : i32
      %cond3A_196 = arith.cmpi ne, %convert_element_type3A_194, %cond3A_195 : i32
      scf.if %cond3A_196 {
        %mul3A_241 = arith.constant 200 : i32
        %mul3A_242 = arith.muli %sub3A_191, %mul3A_241 : i32
        %dma_start3A_243 = tpu.memref_slice %arg5[%mul3A_242] : memref<25600xi32, #tpu.memory_space<vmem>> -> memref<200xi32, #tpu.memory_space<vmem>>
        %dma_start3A_244 = arith.constant 0 : i32
        %dma_start3A_245 = arith.constant 0 : i32
        %dma_start3A_246 = tpu.memref_slice %arg3[%dma_start3A_244, %dma_start3A_245] : memref<1015808x64xf32, #tpu.memory_space<hbm>> -> memref<1015808x64xf32, #tpu.memory_space<hbm>>
        tpu.enqueue_indirect_dma source(%dma_start3A_246 : memref<1015808x64xf32, #tpu.memory_space<hbm>>) target(%arg8 : memref<200x64xf32, #tpu.memory_space<vmem>>) offsets(%dma_start3A_243 : memref<200xi32, #tpu.memory_space<vmem>>) semaphore(%arg13 : memref<!tpu.dma_semaphore, #tpu.memory_space<semaphore_mem>>)
      } else {
      }
      %add3A_197 = arith.constant 3 : i32
      %add3A_198 = arith.addi %add3A_27, %add3A_197 : i32
      %mul3A_199 = arith.constant 200 : i32
      %mul3A_200 = arith.muli %add3A_198, %mul3A_199 : i32
      %dma_wait3A_201 = tpu.memref_slice %arg5[%mul3A_200] : memref<25600xi32, #tpu.memory_space<vmem>> -> memref<200xi32, #tpu.memory_space<vmem>>
      %dma_wait3A_202 = arith.constant 0 : i32
      %dma_wait3A_203 = arith.constant 0 : i32
      %dma_wait3A_204 = tpu.memref_slice %arg3[%dma_wait3A_202, %dma_wait3A_203] : memref<1015808x64xf32, #tpu.memory_space<hbm>> -> memref<1015808x64xf32, #tpu.memory_space<hbm>>
      tpu.wait_indirect_dma semaphore(%arg14 : memref<!tpu.dma_semaphore, #tpu.memory_space<semaphore_mem>>) src(%dma_wait3A_204 : memref<1015808x64xf32, #tpu.memory_space<hbm>>) dst(%arg9 : memref<200x64xf32, #tpu.memory_space<vmem>>)
      %add3A_205 = arith.constant 3 : i32
      %add3A_206 = arith.addi %add3A_27, %add3A_205 : i32
      %broadcast_in_dim3A_207 = arith.constant 0.000000e+00 : f32
      %broadcast_in_dim3A_208 = vector.broadcast %broadcast_in_dim3A_207 : f32 to vector<16xf32>
      %broadcast_in_dim3A_209 = arith.constant 0.000000e+00 : f32
      %broadcast_in_dim3A_210 = vector.broadcast %broadcast_in_dim3A_209 : f32 to vector<16xf32>
      %broadcast_in_dim3A_211 = arith.constant 0.000000e+00 : f32
      %broadcast_in_dim3A_212 = vector.broadcast %broadcast_in_dim3A_211 : f32 to vector<16xf32>
      %broadcast_in_dim3A_213 = arith.constant 0.000000e+00 : f32
      %broadcast_in_dim3A_214 = vector.broadcast %broadcast_in_dim3A_213 : f32 to vector<16xf32>
      %scan3A_215 = arith.constant 0 : i32
      %scan3A_216 = arith.constant 200 : i32
      %scan3A_217 = arith.addi %scan3A_215, %scan3A_216 : i32
      %scan3A_218 = arith.constant 4 : i32
      %scan3A_219:4 = scf.for %scan3A_241 = %scan3A_215 to %scan3A_217 step %scan3A_218 iter_args(%scan3A_242 = %broadcast_in_dim3A_208, %scan3A_243 = %broadcast_in_dim3A_210, %scan3A_244 = %broadcast_in_dim3A_212, %scan3A_245 = %broadcast_in_dim3A_214) -> (vector<16xf32>, vector<16xf32>, vector<16xf32>, vector<16xf32>)  : i32 {
        %get3A = arith.index_cast %scan3A_241 : i32 to index
        %get3A_246 = arith.constant 0 : index
        %get3A_247 = tpu.vector_load %arg9[%get3A, %get3A_246] {strides = array<i32>} : memref<200x64xf32, #tpu.memory_space<vmem>>, vector<1x16xf32>,
        %get3A_248 = vector.shape_cast %get3A_247 : vector<1x16xf32> to vector<16xf32>
        %add3A_249 = arith.addf %scan3A_242, %get3A_248 : vector<16xf32>
        %get3A_250 = arith.index_cast %scan3A_241 : i32 to index
        %get3A_251 = arith.constant 16 : index
        %get3A_252 = tpu.vector_load %arg9[%get3A_250, %get3A_251] {strides = array<i32>} : memref<200x64xf32, #tpu.memory_space<vmem>>, vector<1x16xf32>,
        %get3A_253 = vector.shape_cast %get3A_252 : vector<1x16xf32> to vector<16xf32>
        %add3A_254 = arith.addf %scan3A_243, %get3A_253 : vector<16xf32>
        %get3A_255 = arith.index_cast %scan3A_241 : i32 to index
        %get3A_256 = arith.constant 32 : index
        %get3A_257 = tpu.vector_load %arg9[%get3A_255, %get3A_256] {strides = array<i32>} : memref<200x64xf32, #tpu.memory_space<vmem>>, vector<1x16xf32>,
        %get3A_258 = vector.shape_cast %get3A_257 : vector<1x16xf32> to vector<16xf32>
        %add3A_259 = arith.addf %scan3A_244, %get3A_258 : vector<16xf32>
        %get3A_260 = arith.index_cast %scan3A_241 : i32 to index
        %get3A_261 = arith.constant 48 : index
        %get3A_262 = tpu.vector_load %arg9[%get3A_260, %get3A_261] {strides = array<i32>} : memref<200x64xf32, #tpu.memory_space<vmem>>, vector<1x16xf32>,
        %get3A_263 = vector.shape_cast %get3A_262 : vector<1x16xf32> to vector<16xf32>
        %add3A_264 = arith.addf %scan3A_245, %get3A_263 : vector<16xf32>
        %scan3A_265 = arith.constant 1 : i32
        %scan3A_266 = arith.addi %scan3A_241, %scan3A_265 : i32
        %get3A_267 = arith.index_cast %scan3A_266 : i32 to index
        %get3A_268 = arith.constant 0 : index
        %get3A_269 = tpu.vector_load %arg9[%get3A_267, %get3A_268] {strides = array<i32>} : memref<200x64xf32, #tpu.memory_space<vmem>>, vector<1x16xf32>,
        %get3A_270 = vector.shape_cast %get3A_269 : vector<1x16xf32> to vector<16xf32>
        %add3A_271 = arith.addf %add3A_249, %get3A_270 : vector<16xf32>
        %get3A_272 = arith.index_cast %scan3A_266 : i32 to index
        %get3A_273 = arith.constant 16 : index
        %get3A_274 = tpu.vector_load %arg9[%get3A_272, %get3A_273] {strides = array<i32>} : memref<200x64xf32, #tpu.memory_space<vmem>>, vector<1x16xf32>,
        %get3A_275 = vector.shape_cast %get3A_274 : vector<1x16xf32> to vector<16xf32>
        %add3A_276 = arith.addf %add3A_254, %get3A_275 : vector<16xf32>
        %get3A_277 = arith.index_cast %scan3A_266 : i32 to index
        %get3A_278 = arith.constant 32 : index
        %get3A_279 = tpu.vector_load %arg9[%get3A_277, %get3A_278] {strides = array<i32>} : memref<200x64xf32, #tpu.memory_space<vmem>>, vector<1x16xf32>,
        %get3A_280 = vector.shape_cast %get3A_279 : vector<1x16xf32> to vector<16xf32>
        %add3A_281 = arith.addf %add3A_259, %get3A_280 : vector<16xf32>
        %get3A_282 = arith.index_cast %scan3A_266 : i32 to index
        %get3A_283 = arith.constant 48 : index
        %get3A_284 = tpu.vector_load %arg9[%get3A_282, %get3A_283] {strides = array<i32>} : memref<200x64xf32, #tpu.memory_space<vmem>>, vector<1x16xf32>,
        %get3A_285 = vector.shape_cast %get3A_284 : vector<1x16xf32> to vector<16xf32>
        %add3A_286 = arith.addf %add3A_264, %get3A_285 : vector<16xf32>
        %scan3A_287 = arith.constant 2 : i32
        %scan3A_288 = arith.addi %scan3A_241, %scan3A_287 : i32
        %get3A_289 = arith.index_cast %scan3A_288 : i32 to index
        %get3A_290 = arith.constant 0 : index
        %get3A_291 = tpu.vector_load %arg9[%get3A_289, %get3A_290] {strides = array<i32>} : memref<200x64xf32, #tpu.memory_space<vmem>>, vector<1x16xf32>,
        %get3A_292 = vector.shape_cast %get3A_291 : vector<1x16xf32> to vector<16xf32>
        %add3A_293 = arith.addf %add3A_271, %get3A_292 : vector<16xf32>
        %get3A_294 = arith.index_cast %scan3A_288 : i32 to index
        %get3A_295 = arith.constant 16 : index
        %get3A_296 = tpu.vector_load %arg9[%get3A_294, %get3A_295] {strides = array<i32>} : memref<200x64xf32, #tpu.memory_space<vmem>>, vector<1x16xf32>,
        %get3A_297 = vector.shape_cast %get3A_296 : vector<1x16xf32> to vector<16xf32>
        %add3A_298 = arith.addf %add3A_276, %get3A_297 : vector<16xf32>
        %get3A_299 = arith.index_cast %scan3A_288 : i32 to index
        %get3A_300 = arith.constant 32 : index
        %get3A_301 = tpu.vector_load %arg9[%get3A_299, %get3A_300] {strides = array<i32>} : memref<200x64xf32, #tpu.memory_space<vmem>>, vector<1x16xf32>,
        %get3A_302 = vector.shape_cast %get3A_301 : vector<1x16xf32> to vector<16xf32>
        %add3A_303 = arith.addf %add3A_281, %get3A_302 : vector<16xf32>
        %get3A_304 = arith.index_cast %scan3A_288 : i32 to index
        %get3A_305 = arith.constant 48 : index
        %get3A_306 = tpu.vector_load %arg9[%get3A_304, %get3A_305] {strides = array<i32>} : memref<200x64xf32, #tpu.memory_space<vmem>>, vector<1x16xf32>,
        %get3A_307 = vector.shape_cast %get3A_306 : vector<1x16xf32> to vector<16xf32>
        %add3A_308 = arith.addf %add3A_286, %get3A_307 : vector<16xf32>
        %scan3A_309 = arith.constant 3 : i32
        %scan3A_310 = arith.addi %scan3A_241, %scan3A_309 : i32
        %get3A_311 = arith.index_cast %scan3A_310 : i32 to index
        %get3A_312 = arith.constant 0 : index
        %get3A_313 = tpu.vector_load %arg9[%get3A_311, %get3A_312] {strides = array<i32>} : memref<200x64xf32, #tpu.memory_space<vmem>>, vector<1x16xf32>,
        %get3A_314 = vector.shape_cast %get3A_313 : vector<1x16xf32> to vector<16xf32>
        %add3A_315 = arith.addf %add3A_293, %get3A_314 : vector<16xf32>
        %get3A_316 = arith.index_cast %scan3A_310 : i32 to index
        %get3A_317 = arith.constant 16 : index
        %get3A_318 = tpu.vector_load %arg9[%get3A_316, %get3A_317] {strides = array<i32>} : memref<200x64xf32, #tpu.memory_space<vmem>>, vector<1x16xf32>,
        %get3A_319 = vector.shape_cast %get3A_318 : vector<1x16xf32> to vector<16xf32>
        %add3A_320 = arith.addf %add3A_298, %get3A_319 : vector<16xf32>
        %get3A_321 = arith.index_cast %scan3A_310 : i32 to index
        %get3A_322 = arith.constant 32 : index
        %get3A_323 = tpu.vector_load %arg9[%get3A_321, %get3A_322] {strides = array<i32>} : memref<200x64xf32, #tpu.memory_space<vmem>>, vector<1x16xf32>,
        %get3A_324 = vector.shape_cast %get3A_323 : vector<1x16xf32> to vector<16xf32>
        %add3A_325 = arith.addf %add3A_303, %get3A_324 : vector<16xf32>
        %get3A_326 = arith.index_cast %scan3A_310 : i32 to index
        %get3A_327 = arith.constant 48 : index
        %get3A_328 = tpu.vector_load %arg9[%get3A_326, %get3A_327] {strides = array<i32>} : memref<200x64xf32, #tpu.memory_space<vmem>>, vector<1x16xf32>,
        %get3A_329 = vector.shape_cast %get3A_328 : vector<1x16xf32> to vector<16xf32>
        %add3A_330 = arith.addf %add3A_308, %get3A_329 : vector<16xf32>
        scf.yield %add3A_315, %add3A_320, %add3A_325, %add3A_330 : vector<16xf32>, vector<16xf32>, vector<16xf32>, vector<16xf32>
      }
      %scan3A_220 = arith.constant 200 : i32
      %swap3A_221 = arith.index_cast %add3A_206 : i32 to index
      %swap3A_222 = arith.constant 0 : index
      %swap3A_223 = tpu.vector_load %arg10[%swap3A_221, %swap3A_222] {strides = array<i32>} : memref<128x64xf32, #tpu.memory_space<vmem>>, vector<1x16xf32>,
      %swap3A_224 = vector.shape_cast %swap3A_223 : vector<1x16xf32> to vector<16xf32>
      %swap3A_225 = vector.shape_cast %scan3A_219#0 : vector<16xf32> to vector<1x16xf32>
      tpu.vector_store %arg10[%swap3A_221, %swap3A_222], %swap3A_225 {strides = array<i32>} : memref<128x64xf32, #tpu.memory_space<vmem>>, vector<1x16xf32>,
      %swap3A_226 = arith.index_cast %add3A_206 : i32 to index
      %swap3A_227 = arith.constant 16 : index
      %swap3A_228 = tpu.vector_load %arg10[%swap3A_226, %swap3A_227] {strides = array<i32>} : memref<128x64xf32, #tpu.memory_space<vmem>>, vector<1x16xf32>,
      %swap3A_229 = vector.shape_cast %swap3A_228 : vector<1x16xf32> to vector<16xf32>
      %swap3A_230 = vector.shape_cast %scan3A_219#1 : vector<16xf32> to vector<1x16xf32>
      tpu.vector_store %arg10[%swap3A_226, %swap3A_227], %swap3A_230 {strides = array<i32>} : memref<128x64xf32, #tpu.memory_space<vmem>>, vector<1x16xf32>,
      %swap3A_231 = arith.index_cast %add3A_206 : i32 to index
      %swap3A_232 = arith.constant 32 : index
      %swap3A_233 = tpu.vector_load %arg10[%swap3A_231, %swap3A_232] {strides = array<i32>} : memref<128x64xf32, #tpu.memory_space<vmem>>, vector<1x16xf32>,
      %swap3A_234 = vector.shape_cast %swap3A_233 : vector<1x16xf32> to vector<16xf32>
      %swap3A_235 = vector.shape_cast %scan3A_219#2 : vector<16xf32> to vector<1x16xf32>
      tpu.vector_store %arg10[%swap3A_231, %swap3A_232], %swap3A_235 {strides = array<i32>} : memref<128x64xf32, #tpu.memory_space<vmem>>, vector<1x16xf32>,
      %swap3A_236 = arith.index_cast %add3A_206 : i32 to index
      %swap3A_237 = arith.constant 48 : index
      %swap3A_238 = tpu.vector_load %arg10[%swap3A_236, %swap3A_237] {strides = array<i32>} : memref<128x64xf32, #tpu.memory_space<vmem>>, vector<1x16xf32>,
      %swap3A_239 = vector.shape_cast %swap3A_238 : vector<1x16xf32> to vector<16xf32>
      %swap3A_240 = vector.shape_cast %scan3A_219#3 : vector<16xf32> to vector<1x16xf32>
      tpu.vector_store %arg10[%swap3A_236, %swap3A_237], %swap3A_240 {strides = array<i32>} : memref<128x64xf32, #tpu.memory_space<vmem>>, vector<1x16xf32>,
    }
    %scan3A_22 = arith.constant 32 : i32
    "tpu.region"() ({
      %run_scoped3A = tpu.sem_alloc : memref<!tpu.dma_semaphore, #tpu.memory_space<semaphore_mem>>
      %dma_start3A_23 = arith.constant 0 : i32
      %dma_start3A_24 = tpu.memref_slice %arg4[%mul3A_2, %dma_start3A_23] : memref<4096x64xf32, #tpu.memory_space<hbm>> -> memref<128x64xf32, #tpu.memory_space<hbm>>
      %dma_start3A_25 = arith.constant 0 : i32
      %dma_start3A_26 = tpu.memref_slice %arg4[%mul3A_2, %dma_start3A_25] : memref<4096x64xf32, #tpu.memory_space<hbm>> -> memref<128x64xf32, #tpu.memory_space<hbm>>
      tpu.enqueue_dma source(%arg10 : memref<128x64xf32, #tpu.memory_space<vmem>>) target(%dma_start3A_26 : memref<128x64xf32, #tpu.memory_space<hbm>>) target_semaphore(%run_scoped3A : memref<!tpu.dma_semaphore, #tpu.memory_space<semaphore_mem>>)
      %dma_wait3A = arith.constant 0 : i32
      %dma_wait3A_27 = tpu.memref_slice %arg4[%mul3A_2, %dma_wait3A] : memref<4096x64xf32, #tpu.memory_space<hbm>> -> memref<128x64xf32, #tpu.memory_space<hbm>>
      %dma_wait3A_28 = arith.constant 0 : i32
      %dma_wait3A_29 = tpu.memref_slice %arg4[%mul3A_2, %dma_wait3A_28] : memref<4096x64xf32, #tpu.memory_space<hbm>> -> memref<128x64xf32, #tpu.memory_space<hbm>>
      tpu.wait_dma2 semaphore(%run_scoped3A : memref<!tpu.dma_semaphore, #tpu.memory_space<semaphore_mem>>) src(%arg10 : memref<128x64xf32, #tpu.memory_space<vmem>>) dst(%dma_wait3A_29 : memref<128x64xf32, #tpu.memory_space<hbm>>)
      tpu.yield
    }) : () -> ()
    return
  }
}

module attributes {stable_mosaic.version = 14 : i64} {
  func.func @xpose(%arg0: i32, %arg1: memref<64x16384xf32, #tpu.memory_space<vmem>>, %arg2: memref<8192x128xf32, #tpu.memory_space<vmem>>) attributes {dimension_semantics = [#tpu.dimension_semantics<arbitrary>], iteration_bounds = array<i64: 62>, scalar_prefetch = 0 : i64, scratch_operands = 0 : i64, tpu.core_type = #tpu.core_type<tc>, window_params = [{transform_indices = @transform_0, window_bounds = array<i64: 64, 16384>}, {transform_indices = @transform_1, window_bounds = array<i64: 8192, 128>}]} {
    %get3A = arith.constant 0 : index
    %get3A_0 = arith.constant 0 : index
    %get3A_1 = vector.load %arg1[%get3A, %get3A_0] : memref<64x16384xf32, #tpu.memory_space<vmem>>, vector<64x8192xf32>
    %get3A_2 = arith.constant 0 : index
    %get3A_3 = arith.constant 8192 : index
    %get3A_4 = vector.load %arg1[%get3A_2, %get3A_3] : memref<64x16384xf32, #tpu.memory_space<vmem>>, vector<64x8192xf32>
    %concatenate3A = tpu.concatenate %get3A_1, %get3A_4 in 0 : vector<64x8192xf32>, vector<64x8192xf32> -> vector<128x8192xf32>
    %transpose3A = tpu.transpose %concatenate3A, [1, 0] : vector<128x8192xf32> -> vector<8192x128xf32>
    %swap3A = arith.constant 0 : index
    %swap3A_5 = arith.constant 0 : index
    %swap3A_6 = vector.load %arg2[%swap3A, %swap3A_5] : memref<8192x128xf32, #tpu.memory_space<vmem>>, vector<8192x128xf32>
    tpu.vector_store %arg2[%swap3A, %swap3A_5], %transpose3A {strides = array<i32>} : memref<8192x128xf32, #tpu.memory_space<vmem>>, vector<8192x128xf32>,
    return
  }
  func.func @transform_0(%arg0: i32) -> (i32, i32) {
    %c0_i32 = arith.constant 0 : i32
    %c0_i32_0 = arith.constant 0 : i32
    return %c0_i32, %arg0 : i32, i32
  }
  func.func @transform_1(%arg0: i32) -> (i32, i32) {
    %c0_i32 = arith.constant 0 : i32
    %c0_i32_0 = arith.constant 0 : i32
    return %arg0, %c0_i32 : i32, i32
  }
}

module attributes {stable_mosaic.version = 14 : i64} {
  func.func @head(%arg0: i32, %arg1: memref<256x64xf32, #tpu.memory_space<vmem>>, %arg2: memref<1000x64xf32, #tpu.memory_space<vmem>>, %arg3: memref<1000x1xf32, #tpu.memory_space<vmem>>, %arg4: memref<1000x256xf32, #tpu.memory_space<vmem>>) attributes {dimension_semantics = [#tpu.dimension_semantics<arbitrary>], iteration_bounds = array<i64: 16>, scalar_prefetch = 0 : i64, scratch_operands = 0 : i64, tpu.core_type = #tpu.core_type<tc>, window_params = [{transform_indices = @transform_0, window_bounds = array<i64: 256, 64>}, {pipeline_mode = #tpu.pipeline_mode<synchronous>, transform_indices = @transform_1, window_bounds = array<i64: 1000, 64>}, {pipeline_mode = #tpu.pipeline_mode<synchronous>, transform_indices = @transform_2, window_bounds = array<i64: 1000, 1>}, {transform_indices = @transform_3, window_bounds = array<i64: 1000, 256>}]} {
    %get3A = arith.constant 0 : index
    %get3A_0 = arith.constant 0 : index
    %get3A_1 = vector.load %arg2[%get3A, %get3A_0] : memref<1000x64xf32, #tpu.memory_space<vmem>>, vector<1000x64xf32>
    %get3A_2 = arith.constant 0 : index
    %get3A_3 = arith.constant 0 : index
    %get3A_4 = vector.load %arg1[%get3A_2, %get3A_3] : memref<256x64xf32, #tpu.memory_space<vmem>>, vector<256x64xf32>
    %transpose3A = tpu.transpose %get3A_4, [1, 0] : vector<256x64xf32> -> vector<64x256xf32>
    %dot_general3A = arith.constant dense<0.000000e+00> : vector<1000x256xf32>
    %dot_general3A_5 = tpu.matmul %get3A_1, %transpose3A, %dot_general3A {dimension_numbers = #tpu.dot_dimension_numbers<[1], [0], [0], [1], [0, 0, 1, 1], [], []>, transpose_lhs_hint = false} : vector<1000x64xf32>, vector<64x256xf32>, vector<1000x256xf32> -> vector<1000x256xf32>
    %get3A_6 = arith.constant 0 : index
    %get3A_7 = arith.constant 0 : index
    %get3A_8 = vector.load %arg3[%get3A_6, %get3A_7] : memref<1000x1xf32, #tpu.memory_space<vmem>>, vector<1000x1xf32>
    %add3A = vector.broadcast %get3A_8 : vector<1000x1xf32> to vector<1000x256xf32>
    %add3A_9 = arith.addf %dot_general3A_5, %add3A : vector<1000x256xf32>
    %reduce_max3A = arith.constant dense<0xFF800000> : vector<256xf32>
    %reduce_max3A_10 = vector.multi_reduction <maximumf>, %add3A_9, %reduce_max3A [0] : vector<1000x256xf32> to vector<256xf32>
    %broadcast_in_dim3A = vector.shape_cast %reduce_max3A_10 : vector<256xf32> to vector<1x256xf32>
    %sub3A = vector.broadcast %broadcast_in_dim3A : vector<1x256xf32> to vector<1000x256xf32>
    %sub3A_11 = arith.subf %add3A_9, %sub3A : vector<1000x256xf32>
    %exp3A = math.exp %sub3A_11 : vector<1000x256xf32>
    %reduce_sum3A = arith.constant dense<0.000000e+00> : vector<256xf32>
    %reduce_sum3A_12 = vector.multi_reduction <add>, %exp3A, %reduce_sum3A [0] : vector<1000x256xf32> to vector<256xf32>
    %broadcast_in_dim3A_13 = vector.shape_cast %reduce_sum3A_12 : vector<256xf32> to vector<1x256xf32>
    %div3A = vector.broadcast %broadcast_in_dim3A_13 : vector<1x256xf32> to vector<1000x256xf32>
    %div3A_14 = arith.divf %exp3A, %div3A : vector<1000x256xf32>
    %swap3A = arith.constant 0 : index
    %swap3A_15 = arith.constant 0 : index
    %swap3A_16 = vector.load %arg4[%swap3A, %swap3A_15] : memref<1000x256xf32, #tpu.memory_space<vmem>>, vector<1000x256xf32>
    tpu.vector_store %arg4[%swap3A, %swap3A_15], %div3A_14 {strides = array<i32>} : memref<1000x256xf32, #tpu.memory_space<vmem>>, vector<1000x256xf32>,
    return
  }
  func.func @transform_0(%arg0: i32) -> (i32, i32) {
    %c0_i32 = arith.constant 0 : i32
    %c0_i32_0 = arith.constant 0 : i32
    return %arg0, %c0_i32 : i32, i32
  }
  func.func @transform_1(%arg0: i32) -> (i32, i32) {
    %c0_i32 = arith.constant 0 : i32
    %c0_i32_0 = arith.constant 0 : i32
    %c0_i32_1 = arith.constant 0 : i32
    return %c0_i32, %c0_i32_0 : i32, i32
  }
  func.func @transform_2(%arg0: i32) -> (i32, i32) {
    %c0_i32 = arith.constant 0 : i32
    %c0_i32_0 = arith.constant 0 : i32
    %c0_i32_1 = arith.constant 0 : i32
    return %c0_i32, %c0_i32_0 : i32, i32
  }
  func.func @transform_3(%arg0: i32) -> (i32, i32) {
    %c0_i32 = arith.constant 0 : i32
    %c0_i32_0 = arith.constant 0 : i32
    return %c0_i32, %arg0 : i32, i32
  }
}

</mosaic_0001>

<sc_bundles>
// kernel: kernel.5.cloned.1.call-start
scs
__scs_entry_jumppad:
0x0: {  	(pc) =	sbr.rel $0x88, $3  }
0x1: {  	(tag) =	ssettag $0x0;
	lr =	simm.s32 $0x1  }
0x2: {  	[smem:$0x3F9D] =	sst lr;
	_ =	strace $0xD0000000  }
0x3: {  	_ = 	snop  }
0x4: {  	_ = 	snop  }
0x5: {  	_ = 	snop  }
0x6: {  	_ = 	snop  }
0x7: {  	_ = 	snop  }
__scs_overlays_trampoline_lowered:
0x8: {  	[smem:$0x3FAC] =	sst s0  }
0x9: {  	[smem:$0x3FAD] =	sst s1  }
0xa: {  	[smem:$0x3FAE] =	sst s2  }
0xb: {  	[smem:$0x3FAF] =	sst s3  }
0xc: {  	[smem:$0x3FB0] =	sst s4  }
0xd: {  	[smem:$0x3FB1] =	sst s5  }
0xe: {  	[smem:$0x3FB2] =	sst s6  }
0xf: {  	[smem:$0x3FB3] =	sst s7  }
0x10: {  	[smem:$0x3FB4] =	sst s8  }
0x11: {  	[smem:$0x3FB5] =	sst s9;
	s0 =	simm.s32 @!p0 $0x0  }
0x12: {  	s1 =	sld [smem:$0x3F9B];
	s0 =	simm.s32 @p0 $0x1  }
0x13: {  	[smem:$0x3FB6] =	sst s0;
	s0 =	simm.s32 @!p1 $0x0  }
0x14: {  	s2 =	sld [smem:$0x3F9A];
	s0 =	simm.s32 @p1 $0x1  }
0x15: {  	[smem:$0x3FB7] =	sst s0;
	s0 =	simm.s32 @!p2 $0x0  }
0x16: {  	s3 =	sld [smem:$0x3FDB];
	s0 =	simm.s32 @p2 $0x1  }
0x17: {  	s4 =	simm.s32 $0x1BF5;
	[smem:$0x3FB9] =	sst s0  }
0x18: {  	s0 =	sld [smem:$0x3F9C];
	_ =	swait.ge [sflag:s4], $0x0  }
0x19: {  	s7 =	sld [smem:$0x3F9D]  }
0x1a: {  	s8 =	sadd.s32 $0xFFFFE003, lr  }
0x1b: {  	s9 =	sadd.s32 $0xFFFFFEF7, lr;
	s5 =	simm.s32 $0xFFFFFFFF;
	p2 =	slt.u32 s8, $0xFFFFF086  }
0x1c: {  	p1 =	slt.u32 s9, $0xF7A;
	s5 =	simm.s32 @!p2 $0x0  }
0x1d: {  	s5 =	simm.s32 @p1 $0x1;
	p0 =	seq.s32 s7, s2  }
0x1e: {  	s7 =	smul.u32 @!p0 $0xF7A, s2;
	p2 =	seq.s32 @!p0 s5, $0x0  }
0x1f: {  	s9 =	smul.u32 $0xF7A, s1;
	s8 =	simm.s32 @!p0 $0x1BF5;
	p2 =	por !p2, p0  }
0x20: {  	[sflag:s8] =	ssyncset.s32 @!p0 $0xFFFFF086;
	s6 =	sadd.s32 @!p0 s3, s7;
	s7 =	simm.s32 @!p0 $0x108  }
0x21: {  	s3 =	sadd.s32 s3, s9;
	s6 =	sadd.s32 @!p0 $0x88, s6;
	s7 =	simm.s32 @p2 $0x1082  }
0x22: {  	[simem:s7], [sflag:s8] =	dma.local @!p0 [hbm:s6], $0xF7A  }
0x23: {  	s9 =	sor.u32 $0xD0000000, s2;
	s6 =	simm.s32 $0x108;
	_ =	swait.ge @!p0 [sflag:s8], $0x0  }
0x24: {  	s3 =	sadd.s32 $0x88, s3;
	s6 =	simm.s32 @!p1 $0x1082;
	[sflag:s4] =	ssyncset.s32 $0xFFFFF086  }
0x25: {  	[simem:s6], [sflag:s4] =	dma.local [hbm:s3], $0xF7A  }
0x26: {  	[smem:$0x3F9D] =	sst s1;
	(tag) =	ssettag s2;
	_ =	strace s9  }
0x27: {  	s1 =	sld [smem:$0x3FAD]  }
0x28: {  	s2 =	sld [smem:$0x3FAE]  }
0x29: {  	s4 =	sld [smem:$0x3FB0]  }
0x2a: {  	p0 =	seq.s32 s5, $0x0;
	s5 =	sld [smem:$0x3FB1]  }
0x2b: {  	s6 =	sld [smem:$0x3FB2]  }
0x2c: {  	s7 =	sld [smem:$0x3FB3]  }
0x2d: {  	s3 =	simm.s32 $0x108;
	s8 =	sld [smem:$0x3FB4]  }
0x2e: {  	s3 =	simm.s32 @!p0 $0x1082;
	s9 =	sld [smem:$0x3FB5]  }
0x2f: {  	lr =	sadd.s32 s0, s3;
	s0 =	sld [smem:$0x3FAC]  }
0x30: {  	s3 =	sld [smem:$0x3FAF]  }
0x31: {  	[smem:$0x3FB8] =	sst s10  }
0x32: {  	s10 =	sld [smem:$0x3FB6];
	_ =	sdelay $0x3  }
0x33: {  	p0 =	seq.s32 s10, $0x1;
	s10 =	sld [smem:$0x3FB8];
	_ =	sdelay $0x3  }
0x34: {  	[smem:$0x3FB8] =	sst s10  }
0x35: {  	s10 =	sld [smem:$0x3FB7];
	_ =	sdelay $0x3  }
0x36: {  	p1 =	seq.s32 s10, $0x1;
	s10 =	sld [smem:$0x3FB8];
	_ =	sdelay $0x3  }
0x37: {  	[smem:$0x3FB8] =	sst s10  }
0x38: {  	s10 =	sld [smem:$0x3FB9]  }
0x39: {  	_ = 	snop;
	(pc) =	sbr.ind lr, $3  }
0x3a: {  	_ = 	snop  }
0x3b: {  	_ = 	snop  }
0x3c: {  	p2 =	seq.s32 s10, $0x1;
	s10 =	sld [smem:$0x3FB8]  }
0x3d: {  	_ =	shalt  }
0x3e: {  	_ =	shalt  }
0x3f: {  	_ =	shalt  }
0x40: {  	_ =	shalt  }
0x41: {  	_ =	shalt  }
0x42: {  	_ =	shalt  }
0x43: {  	_ =	shalt  }
0x44: {  	_ =	shalt  }
0x45: {  	_ =	shalt  }
0x46: {  	_ =	shalt  }
0x47: {  	_ =	shalt  }
0x48: {  	_ =	shalt  }
0x49: {  	_ =	shalt  }
0x4a: {  	_ =	shalt  }
0x4b: {  	_ =	shalt  }
0x4c: {  	_ =	shalt  }
0x4d: {  	_ =	shalt  }
0x4e: {  	_ =	shalt  }
0x4f: {  	_ =	shalt  }
0x50: {  	_ =	shalt  }
0x51: {  	_ =	shalt  }
0x52: {  	_ =	shalt  }
0x53: {  	_ =	shalt  }
0x54: {  	_ =	shalt  }
0x55: {  	_ =	shalt  }
0x56: {  	_ =	shalt  }
0x57: {  	_ =	shalt  }
0x58: {  	_ =	shalt  }
0x59: {  	_ =	shalt  }
0x5a: {  	_ =	shalt  }
0x5b: {  	_ =	shalt  }
0x5c: {  	_ =	shalt  }
0x5d: {  	_ =	shalt  }
0x5e: {  	_ =	shalt  }
0x5f: {  	_ =	shalt  }
0x60: {  	_ =	shalt  }
0x61: {  	_ =	shalt  }
0x62: {  	_ =	shalt  }
0x63: {  	_ =	shalt  }
0x64: {  	_ =	shalt  }
0x65: {  	_ =	shalt  }
0x66: {  	_ =	shalt  }
0x67: {  	_ =	shalt  }
0x68: {  	_ =	shalt  }
0x69: {  	_ =	shalt  }
0x6a: {  	_ =	shalt  }
0x6b: {  	_ =	shalt  }
0x6c: {  	_ =	shalt  }
0x6d: {  	_ =	shalt  }
0x6e: {  	_ =	shalt  }
0x6f: {  	_ =	shalt  }
0x70: {  	_ =	shalt  }
0x71: {  	_ =	shalt  }
0x72: {  	_ =	shalt  }
0x73: {  	_ =	shalt  }
0x74: {  	_ =	shalt  }
0x75: {  	_ =	shalt  }
0x76: {  	_ =	shalt  }
0x77: {  	_ =	shalt  }
0x78: {  	_ =	shalt  }
0x79: {  	_ =	shalt  }
0x7a: {  	_ =	shalt  }
0x7b: {  	_ =	shalt  }
0x7c: {  	_ =	shalt  }
0x7d: {  	_ =	shalt  }
0x7e: {  	_ =	shalt  }
0x7f: {  	_ =	shalt  }
0x80: {  	_ =	shalt  }
0x81: {  	_ =	shalt  }
0x82: {  	_ =	shalt  }
0x83: {  	_ =	shalt  }
0x84: {  	_ =	shalt  }
0x85: {  	_ =	shalt  }
0x86: {  	_ =	shalt  }
0x87: {  	_ =	shalt  }
.Lfunc_end0:
.L_simem_size_0:
called_computation_lowered:
.L_overlay_start_0:
0x88: {  	s2 =	sld [smem:$0x3FD9]  }
0x89: {  	s3 =	sld [smem:$0x3FFE];
	_ =	sdelay $0x1  }
0x8a: {  	s1 =	srdreg.scid  }
0x8b: {  	s0 =	sand.u32 $0x1, s1  }
0x8c: {  	s17 =	sshll.u32 s0, $0xA;
	s2 =	sadd.s32 s3, s2  }
0x8d: {  	s2 =	sadd.s32 s2, s17  }
0x8e: {  	[smem:$0x3FC4] =	sst s2  }
0x8f: {  	_ = 	snop  }
0x90: {  	s2 =	sld [smem:$0x3FD0];
	(tm) =	ssettm $0x1  }
0x91: {  	s18 =	sld [smem:$0x3FFB];
	_ =	sdelay $0x3  }
0x92: {  	_ =	strace s18  }
0x93: {  	s3 =	sld [smem:$0x3FFC];
	_ =	sdelay $0x3  }
0x94: {  	_ =	strace s3  }
0x95: {  	s3 =	sld [smem:$0x3FFD];
	_ =	sdelay $0x3  }
0x96: {  	_ =	strace s3  }
0x97: {  	_ =	strace $0x8FFFFFFF  }
0x98: {  	s19 =	sld [smem:$0x3FDB];
	_ =	sdelay $0x1  }
0x99: {  	s4 =	simm.s32 $_scs_section_size  }
0x9a: {  	s5 =	simm.s32 $_size__tile_overlayer_lowered;
	s6 =	simm.s32 $_tile_overlayer_lowered  }
0x9b: {  	s22 =	simm.s32 $0x1BFF;
	s21 =	sshll.u32 s6, $0x1;
	s3 =	sadd.s32 s4, s19  }
0x9c: {  	s7 =	simm.s32 $0x0;
	s20 =	sshll.u32 s5, $0x1;
	s5 =	sadd.s32 s21, s3  }
0x9d: {  	[timem:s7], [sflag:s22] =	dma.local [hbm:s5], s20  }
0x9e: {  	_ =	swait.ge [sflag:s22], s20  }
0x9f: {  	s4 =	ssub.s32 $0x0, s20;
	[sflag:s22] =	ssyncset.done $0x0  }
0xa0: {  	[sflag:s22] =	ssyncadd.s32 s4;
	_ =	sdelay $0x1  }
0xa1: {  	s23 =	simm.s32 $0x1B8B  }
0xa2: {  	_ =	swait.ge [sflag:s23], $0x1  }
0xa3: {  	[sflag:s23] =	ssyncset.done $0x0  }
0xa4: {  	s25 =	simm.s32 $0x1B8E;
	s24 =	sld [smem:$0x3FFE];
	[sflag:s23] =	ssyncadd.s32 $0xFFFFFFFF  }
0xa5: {  	s26 =	simm.s32 $execute0_lowered;
	[smem:$0x3FD2] =	sst s25  }
0xa6: {  	s5 =	sshll.u32 s26, $0x1;
	_ =	strace $0x80000046;
	[dreg:$0x1] =	wrdreg $0xFFFFFFFF  }
0xa7: {  	s28 =	simm.s32 $_size_execute0_lowered;
	s3 =	sadd.s32 s3, s5;
	[dreg:$0x0] =	wrdreg $0x0  }
0xa8: {  	s5 =	sshll.u32 s28, $0x1;
	[dreg:$0x2] =	wrdreg s3  }
0xa9: {  	[dreg:$0x3] =	wrdreg s5  }
0xaa: {  	[dreg:$0x4] =	wrdreg $0xC0  }
0xab: {  	_ =	task [dreg:s7], $0x5FFFF  }
0xac: {  	[dreg:$0x1] =	wrdreg $0xFFFFFFFF  }
0xad: {  	[dreg:$0x0] =	wrdreg $0x60  }
0xae: {  	[dreg:$0x2] =	wrdreg s2  }
0xaf: {  	[dreg:$0x3] =	wrdreg s24  }
0xb0: {  	[dreg:$0x4] =	wrdreg $0x9  }
0xb1: {  	_ =	task.clear_ibuf [dreg:s7], $0x5FFFF;
	_ =	strace $0x90000046  }
0xb2: {  	s29 =	simm.s32 $0x9;
	_ =	strace $0x80000048  }
0xb3: {  	_ =	swait.ge [sflag:s29], $0x1  }
0xb4: {  	[sflag:s29] =	ssyncadd.s32 $0xFFFFFFFF  }
0xb5: {  	_ =	strace $0x90000048  }
0xb6: {  	_ =	sfence  }
0xb7: {  	s30 =	sld [smem:$0x0];
	_ =	sdelay $0x2  }
0xb8: {  	s31 =	sshll.u32 s1, $0xD;
	s1 =	sshrl.u32 s1, $0x2  }
0xb9: {  	s3 =	sand.u32 $0x4000, s31;
	s1 =	sadd.s32 s1, s30  }
0xba: {  	s0 =	sor.u32 s3, s0;
	s1 =	sshll.u32 s1, $0x11  }
0xbb: {  	s0 =	sor.u32 s1, s0  }
0xbc: {  	s0 =	sadd.s32 $0x8F2B, s0  }
0xbd: {  	[sflag:s0] =	ssyncadd.remote.s32 $0x1  }
0xbe: {  	_ =	sfence.sel $0xFFFF  }
0xbf: {  	[dreg:$0x0] =	wrdreg $0xFFFFFFFF;
	(pc) =	sbr.abs _section_cstart, $3  }
0xc0: {  	[dreg:$0x1] =	wrdreg $0xFFFFFFFF  }
0xc1: {  	_ =	task.clear_ibuf [dreg:s7], $0x2FFFF;
	_ =	strace $0x9FFFFFFF  }
0xc2: {  	(tm) =	ssettm $0x7FFFFFFF  }
0xc3: {  	_ =	shalt  }
tec
execute0_lowered:
.L_overlay_start_1:
0x0: {  	(tag) =	ssettag $0x1  }
0x1: {  	s4 =	rddreg [dreg:$0x0]  }
0x2: {  	s5 =	rddreg [dreg:$0x1]  }
0x3: {  	s0 =	rddreg [dreg:$0x2];
	s3 =	srdreg.scid  }
0x4: {  	s1 =	stileid.u32;
	s2 =	simm.s32 $0x0;
	s10 =	simm.s32 $0x9600  }
0x5: {  	s11 =	simm.s32 $0x190;
	s12 =	simm.s32 $0xC800;
	s13 =	simm.s32 $0xFA00  }
0x6: {  	s14 =	simm.s32 $0x1;
	s15 =	simm.s32 $0x2;
	s16 =	simm.s32 $0x3  }
0x7: {  	s17 =	simm.s32 $0x4;
	s18 =	simm.s32 $0x12C00;
	s19 =	simm.s32 $0x0  }
0x8: {  	s3 =	sand.u32 $0x1, s3;
	s6 =	sshll.u32 s1, $0x1;
	[smem:$0x7FF] =	sst s2  }
0x9: {  	s6 =	sor.u32 s3, s6;
	_ =	strace $0x80000047;
	s7 =	ssub.s32 $0x2, s3  }
0xa: {  	s8 =	smul.u32 $0xC80, s6;
	s6 =	sshll.u32 s6, $0xA;
	s9 =	sshrl.u32 s7, $0x1  }
0xb: {  	s3 =	sadd.s32 $0x800, s5;
	s5 =	sadd.s32 s6, s5;
	s31 =	ssub.s32 s7, s9  }
0xc: {  	s7 =	simm.s32 $0x5;
	s9 =	simm.s32 $0x6400;
	s4 =	sadd.s32 s4, s8  }
0xd: {  	s5 =	sadd.s32 $0x7C0800, s5;
	s6 =	smax.u32 s31, $0x1;
	s8 =	simm.s32 $0xC8  }
.LBB2_1:
0xe: {  	[tilespmem:s2], [sflag:$0x5] =	stream.linear.gather [hbm4b:s4+s2], $0x6400, $0x38;
	[tilespmem:$0x14C00] =	vst v63  }
0xf: {  	_ =	swait.ge [sflag:s7], $0x6400  }
0x10: {  	[sflag:s7] =	ssyncset.done $0x0  }
0x11: {  	[sflag:s7] =	ssyncadd.s32 $0xFFFF9C00  }
0x12: {  	[tilespmem:s9], [sflag:$0x1] =	stream.indirect.gather [hbm4b:s3+s8], $0x40, s2, s8, $0xb8;
	[tilespmem:$0x14C00] =	vst v63  }
0x13: {  	_ = 	snop  }
0x14: {  	[tilespmem:s10], [sflag:$0x2] =	stream.indirect.gather [hbm4b:s3+s8], $0x40, s8, s8, $0xb8;
	[tilespmem:$0x14C00] =	vst v63  }
0x15: {  	s20 =	simm.s32 $0x0  }
0x16: {  	[tilespmem:s12], [sflag:$0x3] =	stream.indirect.gather [hbm4b:s3+s8], $0x40, s11, s8, $0xb8;
	[tilespmem:$0x14C00] =	vst v63  }
.LBB2_2:
0x17: {  	s21 =	sshllo.u32 s20, $0x2  }
0x18: {  	s22 =	smul.u32 $0x320, s21;
	_ =	sdelay $0x1  }
0x19: {  	s22 =	sshra.s32 s22, $0x2  }
0x1a: {  	[tilespmem:s13], [sflag:$0x4] =	stream.indirect.gather [hbm4b:s3+s8], $0x40, s22, s8, $0xb8;
	[tilespmem:$0x14C00] =	vst v63  }
0x1b: {  	_ =	swait.ge [sflag:s14], $0x3200  }
0x1c: {  	[sflag:s14] =	ssyncset.done $0x0  }
0x1d: {  	s23 =	simm.s32 $0x6480;
	[sflag:s14] =	ssyncadd.s32 $0xFFFFCE00  }
0x1e: {  	v0 =	vld [tilespmem:s23+$0x40]  }
0x1f: {  	v1 =	vld [tilespmem:s23+$0x50]  }
0x20: {  	v2 =	vld [tilespmem:s23+$0x0]  }
0x21: {  	v3 =	vld [tilespmem:s23+$0x10]  }
0x22: {  	v7 =	vld [tilespmem:s23+$0xFFFFFFC0]  }
0x23: {  	v12 =	vld [tilespmem:s23+$0xFFFFFFD0]  }
0x24: {  	v4 =	vld [tilespmem:s23+$0xFFFFFF80]  }
0x25: {  	v6 =	vld [tilespmem:s23+$0xFFFFFF90]  }
0x26: {  	v10 =	vld [tilespmem:s23+$0xFFFFFFA0]  }
0x27: {  	v13 =	vld [tilespmem:s23+$0xFFFFFFB0]  }
0x28: {  	v8 =	vld [tilespmem:s23+$0xFFFFFFE0]  }
0x29: {  	v9 =	vld [tilespmem:s23+$0xFFFFFFF0]  }
0x2a: {  	v14 =	vimm.f32 $0.0e+00;
	v5 =	vld [tilespmem:s23+$0x20]  }
0x2b: {  	v15 =	vadd.f32 v4, v14;
	v16 =	vadd.f32 v6, v14;
	v6 =	vld [tilespmem:s23+$0x30]  }
0x2c: {  	v11 =	vadd.f32 v10, v14;
	v10 =	vadd.f32 v13, v14;
	v4 =	vld [tilespmem:s23+$0x60]  }
0x2d: {  	s22 =	simm.s32 $0x0;
	v13 =	vadd.f32 v7, v15;
	v12 =	vadd.f32 v12, v16;
	v7 =	vld [tilespmem:s23+$0x70];
	s23 =	simm.s32 $0x6580  }
.LBB2_3:
0x2e: {  	v14 =	vld [tilespmem:s23+$0x40];
	v8 =	vadd.f32 v8, v11;
	v9 =	vadd.f32 v9, v10  }
0x2f: {  	v10 =	vld [tilespmem:s23+$0x50];
	v11 =	vadd.f32 v2, v13;
	v12 =	vadd.f32 v3, v12  }
0x30: {  	v2 =	vld [tilespmem:s23+$0x0];
	v5 =	vadd.f32 v5, v8;
	v6 =	vadd.f32 v6, v9  }
0x31: {  	v3 =	vld [tilespmem:s23+$0x10];
	v11 =	vadd.f32 v0, v11;
	v12 =	vadd.f32 v1, v12  }
0x32: {  	v13 =	vld [tilespmem:s23+$0xFFFFFFC0];
	v4 =	vadd.f32 v4, v5;
	v7 =	vadd.f32 v7, v6  }
0x33: {  	v15 =	vld [tilespmem:s23+$0xFFFFFFD0];
	v0 =	vmov v14  }
0x34: {  	v6 =	vld [tilespmem:s23+$0xFFFFFF80];
	v1 =	vmov v10  }
0x35: {  	v10 =	vld [tilespmem:s23+$0xFFFFFF90]  }
0x36: {  	v14 =	vld [tilespmem:s23+$0xFFFFFFA0]  }
0x37: {  	s22 =	sadd.s32 $0x4, s22;
	v16 =	vld [tilespmem:s23+$0xFFFFFFB0]  }
0x38: {  	p0 =	slt.u32 s22, $0xC4;
	v8 =	vld [tilespmem:s23+$0xFFFFFFE0]  }
.Ltmp0:
0x39: {  	v9 =	vld [tilespmem:s23+$0xFFFFFFF0];
	(pc) =	sbr.rel @p0 .LBB2_3-.Ltmp0, $4  }
0x3a: {  	v5 =	vld [tilespmem:s23+$0x20]  }
0x3b: {  	v17 =	vadd.f32 v6, v11;
	v12 =	vadd.f32 v10, v12;
	v6 =	vld [tilespmem:s23+$0x30]  }
0x3c: {  	v11 =	vadd.f32 v14, v4;
	v10 =	vadd.f32 v16, v7;
	v4 =	vld [tilespmem:s23+$0x60]  }
0x3d: {  	v13 =	vadd.f32 v13, v17;
	v12 =	vadd.f32 v15, v12;
	v7 =	vld [tilespmem:s23+$0x70];
	s23 =	sadd.s32 $0x100, s23  }
0x3e: {  	_ = 	snop  }
0x3f: {  	v8 =	vadd.f32 v8, v11;
	v2 =	vadd.f32 v2, v13  }
0x40: {  	v9 =	vadd.f32 v9, v10;
	v3 =	vadd.f32 v3, v12  }
0x41: {  	s22 =	sshll.u32 s20, $0x8;
	v5 =	vadd.f32 v5, v8;
	v0 =	vadd.f32 v0, v2  }
0x42: {  	p0 =	seq.s32 s20, $0x1F;
	s22 =	sand.u32 $0x3FFFFF00, s22;
	v2 =	vadd.f32 v6, v9;
	v1 =	vadd.f32 v1, v3  }
0x43: {  	s23 =	smul.u32 @!p0 $0xC80, s20;
	v3 =	vadd.f32 v4, v5;
	[tilespmem:s22+$0x12C00] =	vst v0  }
0x44: {  	v0 =	vadd.f32 v7, v2;
	[tilespmem:s22+$0x12C10] =	vst v1  }
0x45: {  	s23 =	sshra.s32 @!p0 s23, $0x2;
	[tilespmem:s22+$0x12C20] =	vst v3  }
0x46: {  	s25 =	simm.s32 @!p0 $0xC8;
	s26 =	simm.s32 @!p0 $0x6400;
	s24 =	sadd.s32 @!p0 $0x320, s23;
	[tilespmem:s22+$0x12C30] =	vst v0  }
0x47: {  	[tilespmem:s26], [sflag:$0x1] =	stream.indirect.gather @!p0 [hbm4b:s3+s25], $0x40, s24, s25, $0xb8;
	[tilespmem:$0x14C00] =	vst v63  }
0x48: {  	_ =	swait.ge [sflag:s15], $0x3200  }
0x49: {  	[sflag:s15] =	ssyncset.done $0x0  }
0x4a: {  	s31 =	simm.s32 $0x9680;
	[sflag:s15] =	ssyncadd.s32 $0xFFFFCE00  }
0x4b: {  	v0 =	vld [tilespmem:s31+$0x40]  }
0x4c: {  	v1 =	vld [tilespmem:s31+$0x50]  }
0x4d: {  	v2 =	vld [tilespmem:s31+$0x0]  }
0x4e: {  	v3 =	vld [tilespmem:s31+$0x10]  }
0x4f: {  	v9 =	vld [tilespmem:s31+$0xFFFFFFC0]  }
0x50: {  	v12 =	vld [tilespmem:s31+$0xFFFFFFD0]  }
0x51: {  	v5 =	vld [tilespmem:s31+$0xFFFFFF80]  }
0x52: {  	v7 =	vld [tilespmem:s31+$0xFFFFFF90]  }
0x53: {  	v10 =	vld [tilespmem:s31+$0xFFFFFFA0]  }
0x54: {  	v13 =	vld [tilespmem:s31+$0xFFFFFFB0]  }
0x55: {  	v6 =	vld [tilespmem:s31+$0xFFFFFFE0]  }
0x56: {  	v8 =	vld [tilespmem:s31+$0xFFFFFFF0]  }
0x57: {  	v14 =	vimm.f32 $0.0e+00;
	v4 =	vld [tilespmem:s31+$0x20]  }
0x58: {  	v15 =	vadd.f32 v5, v14;
	v16 =	vadd.f32 v7, v14;
	v7 =	vld [tilespmem:s31+$0x30]  }
0x59: {  	v11 =	vadd.f32 v10, v14;
	v10 =	vadd.f32 v13, v14;
	v5 =	vld [tilespmem:s31+$0x60]  }
0x5a: {  	s24 =	simm.s32 $0x0;
	s25 =	simm.s32 $0x9780;
	v13 =	vadd.f32 v9, v15;
	v12 =	vadd.f32 v12, v16;
	v9 =	vld [tilespmem:s31+$0x70]  }
.LBB2_5:
0x5b: {  	v14 =	vld [tilespmem:s25+$0x40];
	v6 =	vadd.f32 v6, v11;
	v8 =	vadd.f32 v8, v10  }
0x5c: {  	v10 =	vld [tilespmem:s25+$0x50];
	v11 =	vadd.f32 v2, v13;
	v12 =	vadd.f32 v3, v12  }
0x5d: {  	v2 =	vld [tilespmem:s25+$0x0];
	v4 =	vadd.f32 v4, v6;
	v6 =	vadd.f32 v7, v8  }
0x5e: {  	v3 =	vld [tilespmem:s25+$0x10];
	v7 =	vadd.f32 v0, v11;
	v11 =	vadd.f32 v1, v12  }
0x5f: {  	v12 =	vld [tilespmem:s25+$0xFFFFFFC0];
	v5 =	vadd.f32 v5, v4;
	v9 =	vadd.f32 v9, v6  }
0x60: {  	v15 =	vld [tilespmem:s25+$0xFFFFFFD0];
	v0 =	vmov v14  }
0x61: {  	v13 =	vld [tilespmem:s25+$0xFFFFFF80];
	v1 =	vmov v10  }
0x62: {  	v10 =	vld [tilespmem:s25+$0xFFFFFF90]  }
0x63: {  	v14 =	vld [tilespmem:s25+$0xFFFFFFA0]  }
0x64: {  	s24 =	sadd.s32 $0x4, s24;
	v16 =	vld [tilespmem:s25+$0xFFFFFFB0]  }
0x65: {  	p1 =	slt.u32 s24, $0xC4;
	v6 =	vld [tilespmem:s25+$0xFFFFFFE0]  }
.Ltmp1:
0x66: {  	v8 =	vld [tilespmem:s25+$0xFFFFFFF0];
	(pc) =	sbr.rel @p1 .LBB2_5-.Ltmp1, $4  }
0x67: {  	v4 =	vld [tilespmem:s25+$0x20]  }
0x68: {  	v13 =	vadd.f32 v13, v7;
	v17 =	vadd.f32 v10, v11;
	v7 =	vld [tilespmem:s25+$0x30]  }
0x69: {  	v11 =	vadd.f32 v14, v5;
	v10 =	vadd.f32 v16, v9;
	v5 =	vld [tilespmem:s25+$0x60]  }
0x6a: {  	v13 =	vadd.f32 v12, v13;
	v12 =	vadd.f32 v15, v17;
	v9 =	vld [tilespmem:s25+$0x70];
	s25 =	sadd.s32 $0x100, s25  }
0x6b: {  	_ = 	snop  }
0x6c: {  	v6 =	vadd.f32 v6, v11;
	v2 =	vadd.f32 v2, v13  }
0x6d: {  	v8 =	vadd.f32 v8, v10;
	v3 =	vadd.f32 v3, v12  }
0x6e: {  	v4 =	vadd.f32 v4, v6;
	v0 =	vadd.f32 v0, v2  }
0x6f: {  	v2 =	vadd.f32 v7, v8;
	v1 =	vadd.f32 v1, v3  }
0x70: {  	v3 =	vadd.f32 v5, v4;
	[tilespmem:s22+$0x12C40] =	vst v0  }
0x71: {  	v0 =	vadd.f32 v9, v2;
	[tilespmem:s22+$0x12C50] =	vst v1  }
0x72: {  	[tilespmem:s22+$0x12C60] =	vst v3  }
0x73: {  	s24 =	sadd.s32 @!p0 $0x3E8, s23;
	s25 =	simm.s32 @!p0 $0xC8;
	s26 =	simm.s32 @!p0 $0x9600;
	[tilespmem:s22+$0x12C70] =	vst v0  }
0x74: {  	[tilespmem:s26], [sflag:$0x2] =	stream.indirect.gather @!p0 [hbm4b:s3+s25], $0x40, s24, s25, $0xb8;
	[tilespmem:$0x14C00] =	vst v63  }
0x75: {  	_ =	swait.ge [sflag:s16], $0x3200  }
0x76: {  	[sflag:s16] =	ssyncset.done $0x0  }
0x77: {  	s31 =	simm.s32 $0xC880;
	[sflag:s16] =	ssyncadd.s32 $0xFFFFCE00  }
0x78: {  	v0 =	vld [tilespmem:s31+$0x40]  }
0x79: {  	v1 =	vld [tilespmem:s31+$0x50]  }
0x7a: {  	v2 =	vld [tilespmem:s31+$0x0]  }
0x7b: {  	v3 =	vld [tilespmem:s31+$0x10]  }
0x7c: {  	v9 =	vld [tilespmem:s31+$0xFFFFFFC0]  }
0x7d: {  	v12 =	vld [tilespmem:s31+$0xFFFFFFD0]  }
0x7e: {  	v5 =	vld [tilespmem:s31+$0xFFFFFF80]  }
0x7f: {  	v7 =	vld [tilespmem:s31+$0xFFFFFF90]  }
0x80: {  	v10 =	vld [tilespmem:s31+$0xFFFFFFA0]  }
0x81: {  	v13 =	vld [tilespmem:s31+$0xFFFFFFB0]  }
0x82: {  	v6 =	vld [tilespmem:s31+$0xFFFFFFE0]  }
0x83: {  	v8 =	vld [tilespmem:s31+$0xFFFFFFF0]  }
0x84: {  	v14 =	vimm.f32 $0.0e+00;
	v4 =	vld [tilespmem:s31+$0x20]  }
0x85: {  	v15 =	vadd.f32 v5, v14;
	v16 =	vadd.f32 v7, v14;
	v7 =	vld [tilespmem:s31+$0x30]  }
0x86: {  	v11 =	vadd.f32 v10, v14;
	v10 =	vadd.f32 v13, v14;
	v5 =	vld [tilespmem:s31+$0x60]  }
0x87: {  	s24 =	simm.s32 $0x0;
	s25 =	simm.s32 $0xC980;
	v13 =	vadd.f32 v9, v15;
	v12 =	vadd.f32 v12, v16;
	v9 =	vld [tilespmem:s31+$0x70]  }
.LBB2_7:
0x88: {  	v14 =	vld [tilespmem:s25+$0x40];
	v6 =	vadd.f32 v6, v11;
	v8 =	vadd.f32 v8, v10  }
0x89: {  	v10 =	vld [tilespmem:s25+$0x50];
	v11 =	vadd.f32 v2, v13;
	v12 =	vadd.f32 v3, v12  }
0x8a: {  	v2 =	vld [tilespmem:s25+$0x0];
	v4 =	vadd.f32 v4, v6;
	v6 =	vadd.f32 v7, v8  }
0x8b: {  	v3 =	vld [tilespmem:s25+$0x10];
	v7 =	vadd.f32 v0, v11;
	v11 =	vadd.f32 v1, v12  }
0x8c: {  	v12 =	vld [tilespmem:s25+$0xFFFFFFC0];
	v5 =	vadd.f32 v5, v4;
	v9 =	vadd.f32 v9, v6  }
0x8d: {  	v15 =	vld [tilespmem:s25+$0xFFFFFFD0];
	v0 =	vmov v14  }
0x8e: {  	v13 =	vld [tilespmem:s25+$0xFFFFFF80];
	v1 =	vmov v10  }
0x8f: {  	v10 =	vld [tilespmem:s25+$0xFFFFFF90]  }
0x90: {  	v14 =	vld [tilespmem:s25+$0xFFFFFFA0]  }
0x91: {  	s24 =	sadd.s32 $0x4, s24;
	v16 =	vld [tilespmem:s25+$0xFFFFFFB0]  }
0x92: {  	p1 =	slt.u32 s24, $0xC4;
	v6 =	vld [tilespmem:s25+$0xFFFFFFE0]  }
.Ltmp2:
0x93: {  	v8 =	vld [tilespmem:s25+$0xFFFFFFF0];
	(pc) =	sbr.rel @p1 .LBB2_7-.Ltmp2, $4  }
0x94: {  	v4 =	vld [tilespmem:s25+$0x20]  }
0x95: {  	v13 =	vadd.f32 v13, v7;
	v17 =	vadd.f32 v10, v11;
	v7 =	vld [tilespmem:s25+$0x30]  }
0x96: {  	v11 =	vadd.f32 v14, v5;
	v10 =	vadd.f32 v16, v9;
	v5 =	vld [tilespmem:s25+$0x60]  }
0x97: {  	v13 =	vadd.f32 v12, v13;
	v12 =	vadd.f32 v15, v17;
	v9 =	vld [tilespmem:s25+$0x70];
	s25 =	sadd.s32 $0x100, s25  }
0x98: {  	_ = 	snop  }
0x99: {  	v6 =	vadd.f32 v6, v11;
	v2 =	vadd.f32 v2, v13  }
0x9a: {  	v8 =	vadd.f32 v8, v10;
	v3 =	vadd.f32 v3, v12  }
0x9b: {  	v4 =	vadd.f32 v4, v6;
	v0 =	vadd.f32 v0, v2  }
0x9c: {  	v2 =	vadd.f32 v7, v8;
	v1 =	vadd.f32 v1, v3  }
0x9d: {  	v3 =	vadd.f32 v5, v4;
	[tilespmem:s22+$0x12C80] =	vst v0  }
0x9e: {  	v0 =	vadd.f32 v9, v2;
	[tilespmem:s22+$0x12C90] =	vst v1  }
0x9f: {  	[tilespmem:s22+$0x12CA0] =	vst v3  }
0xa0: {  	s24 =	simm.s32 @!p0 $0xC800;
	[tilespmem:s22+$0x12CB0] =	vst v0;
	s22 =	sadd.s32 @!p0 $0x4B0, s23;
	s23 =	simm.s32 @!p0 $0xC8  }
0xa1: {  	[tilespmem:s24], [sflag:$0x3] =	stream.indirect.gather @!p0 [hbm4b:s3+s23], $0x40, s22, s23, $0xb8;
	[tilespmem:$0x14C00] =	vst v63  }
0xa2: {  	_ =	swait.ge [sflag:s17], $0x3200  }
0xa3: {  	[sflag:s17] =	ssyncset.done $0x0  }
0xa4: {  	s31 =	simm.s32 $0xFA80;
	[sflag:s17] =	ssyncadd.s32 $0xFFFFCE00  }
0xa5: {  	v0 =	vld [tilespmem:s31+$0x40]  }
0xa6: {  	v1 =	vld [tilespmem:s31+$0x50]  }
0xa7: {  	v2 =	vld [tilespmem:s31+$0x0]  }
0xa8: {  	v3 =	vld [tilespmem:s31+$0x10]  }
0xa9: {  	v9 =	vld [tilespmem:s31+$0xFFFFFFC0]  }
0xaa: {  	v12 =	vld [tilespmem:s31+$0xFFFFFFD0]  }
0xab: {  	v5 =	vld [tilespmem:s31+$0xFFFFFF80]  }
0xac: {  	v6 =	vld [tilespmem:s31+$0xFFFFFF90]  }
0xad: {  	v10 =	vld [tilespmem:s31+$0xFFFFFFA0]  }
0xae: {  	v13 =	vld [tilespmem:s31+$0xFFFFFFB0]  }
0xaf: {  	v7 =	vld [tilespmem:s31+$0xFFFFFFE0]  }
0xb0: {  	v8 =	vld [tilespmem:s31+$0xFFFFFFF0]  }
0xb1: {  	v14 =	vimm.f32 $0.0e+00;
	v4 =	vld [tilespmem:s31+$0x20]  }
0xb2: {  	v15 =	vadd.f32 v5, v14;
	v16 =	vadd.f32 v6, v14;
	v6 =	vld [tilespmem:s31+$0x30]  }
0xb3: {  	v11 =	vadd.f32 v10, v14;
	v10 =	vadd.f32 v13, v14;
	v5 =	vld [tilespmem:s31+$0x60]  }
0xb4: {  	s22 =	simm.s32 $0x0;
	s23 =	simm.s32 $0xFB80;
	v13 =	vadd.f32 v9, v15;
	v12 =	vadd.f32 v12, v16;
	v9 =	vld [tilespmem:s31+$0x70]  }
.LBB2_9:
0xb5: {  	v14 =	vld [tilespmem:s23+$0x40];
	v7 =	vadd.f32 v7, v11;
	v8 =	vadd.f32 v8, v10  }
0xb6: {  	v10 =	vld [tilespmem:s23+$0x50];
	v11 =	vadd.f32 v2, v13;
	v12 =	vadd.f32 v3, v12  }
0xb7: {  	v2 =	vld [tilespmem:s23+$0x0];
	v4 =	vadd.f32 v4, v7;
	v6 =	vadd.f32 v6, v8  }
0xb8: {  	v3 =	vld [tilespmem:s23+$0x10];
	v11 =	vadd.f32 v0, v11;
	v12 =	vadd.f32 v1, v12  }
0xb9: {  	v13 =	vld [tilespmem:s23+$0xFFFFFFC0];
	v5 =	vadd.f32 v5, v4;
	v9 =	vadd.f32 v9, v6  }
0xba: {  	v15 =	vld [tilespmem:s23+$0xFFFFFFD0];
	v0 =	vmov v14  }
0xbb: {  	v6 =	vld [tilespmem:s23+$0xFFFFFF80];
	v1 =	vmov v10  }
0xbc: {  	v10 =	vld [tilespmem:s23+$0xFFFFFF90]  }
0xbd: {  	v14 =	vld [tilespmem:s23+$0xFFFFFFA0]  }
0xbe: {  	s22 =	sadd.s32 $0x4, s22;
	v16 =	vld [tilespmem:s23+$0xFFFFFFB0]  }
0xbf: {  	p0 =	slt.u32 s22, $0xC4;
	v7 =	vld [tilespmem:s23+$0xFFFFFFE0]  }
.Ltmp3:
0xc0: {  	v8 =	vld [tilespmem:s23+$0xFFFFFFF0];
	(pc) =	sbr.rel @p0 .LBB2_9-.Ltmp3, $4  }
0xc1: {  	v4 =	vld [tilespmem:s23+$0x20]  }
0xc2: {  	v17 =	vadd.f32 v6, v11;
	v12 =	vadd.f32 v10, v12;
	v6 =	vld [tilespmem:s23+$0x30]  }
0xc3: {  	v11 =	vadd.f32 v14, v5;
	v10 =	vadd.f32 v16, v9;
	v5 =	vld [tilespmem:s23+$0x60]  }
0xc4: {  	v13 =	vadd.f32 v13, v17;
	v12 =	vadd.f32 v15, v12;
	v9 =	vld [tilespmem:s23+$0x70];
	s23 =	sadd.s32 $0x100, s23  }
0xc5: {  	_ = 	snop  }
0xc6: {  	v7 =	vadd.f32 v7, v11;
	v2 =	vadd.f32 v2, v13  }
0xc7: {  	v8 =	vadd.f32 v8, v10;
	s20 =	sadd.s32 $0x1, s20;
	v3 =	vadd.f32 v3, v12  }
0xc8: {  	s21 =	sshll.u32 s21, $0x6;
	p0 =	sne.s32 s20, $0x20;
	v4 =	vadd.f32 v4, v7;
	v0 =	vadd.f32 v0, v2  }
.Ltmp4:
0xc9: {  	s21 =	sand.u32 $0x3FFFFFC0, s21;
	v61 =	vadd.f32 v6, v8;
	v1 =	vadd.f32 v1, v3;
	(pc) =	sbr.rel @p0 .LBB2_2-.Ltmp4, $4  }
0xca: {  	v62 =	vadd.f32 v5, v4;
	[tilespmem:s21+$0x12C00] =	vst v0  }
0xcb: {  	v63 =	vadd.f32 v9, v61;
	[tilespmem:s21+$0x12C10] =	vst v1  }
0xcc: {  	[tilespmem:s21+$0x12C20] =	vst v62  }
0xcd: {  	[tilespmem:s21+$0x12C30] =	vst v63  }
0xce: {  	s19 =	sadd.s32 $0x1, s19  }
0xcf: {  	p0 =	sne.s32 s19, s6  }
.Ltmp5:
0xd0: {  	_ = 	snop;
	(pc) =	sbr.rel @p0 .LBB2_1-.Ltmp5, $4  }
0xd1: {  	[hbm4b:s5+s2] =	stream.linear.scatter [tilespmem:s18], [sflag:$0x5], $0x2000, $0x38;
	[tilespmem:$0x14C00] =	vst v63  }
0xd2: {  	_ =	swait.ge [sflag:s7], $0x2000  }
0xd3: {  	[sflag:s7] =	ssyncset.done $0x0  }
0xd4: {  	[sflag:s7] =	ssyncadd.s32 $0xFFFFE000  }
0xd5: {  	_ =	sfence.sel $0x180000  }
0xd6: {  	[bflag:$0x0] =	sbarrier.arrive $0xFFFF  }
0xd7: {  	p0 =	sne.s32 s1, $0x0;
	_ =	strace $0x90000047  }
0xd8: {  	s0 =	sadd.s32 @!p0 $0x100000, s0;
	[bflag:$0x2] =	sbarrier.arrive $0xFFFF  }
0xd9: {  	[sflag:s0] =	ssyncadd.tile.s32 @!p0 $0x1;
	_ =	shalt  }
.Lfunc_end2:
_tile_overlayer_lowered:
.L_overlay_start_2:
0xda: {  	(tag) =	ssettag $0x2  }
0xdb: {  	s0 =	rddreg [dreg:$0x0];
	s2 =	stileid.u32  }
0xdc: {  	s1 =	rddreg [dreg:$0x1];
	p0 =	sne.s32 s2, $0x0  }
0xdd: {  	s3 =	rddreg [dreg:$0x2];
	[bflag:$0x3] =	sbarrier.arrive $0xFFFF;
	s2 =	simm.s32 @!p0 $0x1C05  }
0xde: {  	[timem:s3], [sflag:s2] =	dma.local @!p0 [hbm:s0], s1  }
0xdf: {  	s0 =	simm.s32 @!p0 $0x5  }
0xe0: {  	_ =	swait.ge @!p0 [sflag:s0], s1  }
0xe1: {  	s1 =	ssub.s32 @!p0 $0x0, s1;
	[sflag:s0] =	ssyncset.done @!p0 $0x0  }
0xe2: {  	[sflag:s0] =	ssyncadd.s32 @!p0 s1  }
0xe3: {  	[bflag:$0x3] =	sbarrier.arrive $0xFFFF  }
0xe4: {  	_ =	shalt  }

</sc_bundles>
